<compile_context>
chip_gen: v7x
topology: tpu7x:2x2x1
jax: 0.10.2.dev20260603
libtpu: 0.0.44.dev20260713+nightly
codegen_flags: <defaults>
</compile_context>

<pallas_src>
import jax
import jax.numpy as jnp
import numpy as np
from jax import lax
from jax.experimental import pallas as pl
from jax.experimental.pallas import tpu as pltpu
from jax.experimental.pallas import tpu_sc as plsc

N_NODES = 10000
N_EDGES = 320000
EMB = 128

NC = 2
NS = 16

GROUP = 80
CHUNK = 5
N_CHUNKS = 25
G_PER_TILE = CHUNK * N_CHUNKS
N_PAD = 10240
ROWS_PER_TILE = N_PAD // NS
N_COMBO = 32


def _sc_body(nf, te, src, dst, tix, agg_out,
             src_v, dst_v, t_v, te_v, rows_v, agg_sp, gsem, tsem, ssem, isem):
    cid = lax.axis_index("c")
    sid = lax.axis_index("s")
    tile = cid * NS + sid

    zeros16 = jnp.zeros((16,), jnp.float32)

    G = G_PER_TILE

    def pw(g):
        c = lax.div(g, CHUNK)
        return lax.rem(c, 2), lax.rem(g, CHUNK)

    def start_idx_load(c):
        p = lax.rem(c, 2)
        pltpu.async_copy(src.at[tile, c], src_v.at[p], isem)
        pltpu.async_copy(dst.at[tile, c], dst_v.at[p], isem)
        pltpu.async_copy(tix.at[tile, c], t_v.at[p], isem)

    def wait_idx_load(c):
        p = lax.rem(c, 2)
        pltpu.make_async_copy(src.at[tile, c], src_v.at[p], isem).wait()
        pltpu.make_async_copy(dst.at[tile, c], dst_v.at[p], isem).wait()
        pltpu.make_async_copy(tix.at[tile, c], t_v.at[p], isem).wait()

    def start_gather(g):
        p, w = pw(g)
        pltpu.async_copy(nf.at[src_v.at[p, w]], rows_v.at[lax.rem(g, 3)], gsem)

    def wait_gather(g):
        p, w = pw(g)
        pltpu.make_async_copy(nf.at[src_v.at[p, w]], rows_v.at[lax.rem(g, 3)],
                              gsem).wait()

    def start_te(g):
        p, w = pw(g)
        pltpu.async_copy(te_v.at[t_v.at[p, w]], rows_v.at[lax.rem(g, 3)], tsem,
                         add=True)

    def wait_te(g):
        p, w = pw(g)
        pltpu.make_async_copy(te_v.at[t_v.at[p, w]], rows_v.at[lax.rem(g, 3)],
                              tsem).wait()

    def start_scatter(g):
        p, w = pw(g)
        pltpu.async_copy(rows_v.at[lax.rem(g, 3)], agg_sp.at[dst_v.at[p, w]],
                         ssem, add=True)

    def wait_scatter(g):
        p, w = pw(g)
        pltpu.make_async_copy(rows_v.at[lax.rem(g, 3)], agg_sp.at[dst_v.at[p, w]],
                              ssem).wait()

    @pl.when(sid == 0)
    def _():
        pltpu.sync_copy(te, te_v)

    def zrow(i, carry):
        for j in range(EMB // 16):
            rows_v[0, i, pl.ds(j * 16, 16)] = zeros16
        return carry

    ZCH = 80
    lax.fori_loop(0, ZCH, zrow, 0)
    base = sid * ROWS_PER_TILE
    for i in range(ROWS_PER_TILE // ZCH):
        pltpu.async_copy(rows_v.at[0, pl.ds(0, ZCH)],
                         agg_sp.at[pl.ds(base + i * ZCH, ZCH)], ssem)
    for i in range(ROWS_PER_TILE // ZCH):
        pltpu.make_async_copy(rows_v.at[0, pl.ds(0, ZCH)],
                              agg_sp.at[pl.ds(base + i * ZCH, ZCH)],
                              ssem).wait()
    plsc.subcore_barrier()

    start_idx_load(0)
    wait_idx_load(0)
    start_gather(0)

    def body(g, carry):
        @pl.when(jnp.logical_and(lax.rem(g, CHUNK) == 2,
                                 lax.div(g, CHUNK) <= N_CHUNKS - 2))
        def _():
            start_idx_load(lax.div(g, CHUNK) + 1)

        @pl.when(jnp.logical_and(lax.rem(g, CHUNK) == 0,
                                 jnp.logical_and(g >= CHUNK, g <= G - 1)))
        def _():
            wait_idx_load(lax.div(g, CHUNK))

        @pl.when(jnp.logical_and(g >= 2, g <= G + 1))
        def _():
            wait_scatter(g - 2)

        @pl.when(g <= G - 2)
        def _():
            start_gather(g + 1)

        @pl.when(g <= G - 1)
        def _():
            wait_gather(g)
            start_te(g)

        @pl.when(jnp.logical_and(g >= 1, g <= G))
        def _():
            wait_te(g - 1)
            start_scatter(g - 1)

        return carry

    lax.fori_loop(0, G + 2, body, 0)
    plsc.subcore_barrier()

    for i in range(ROWS_PER_TILE // 128):
        r0 = base + i * 128
        pltpu.async_copy(agg_sp.at[pl.ds(r0, 128)],
                         agg_out.at[cid, pl.ds(r0, 128)], gsem)
    for i in range(ROWS_PER_TILE // 128):
        r0 = base + i * 128
        pltpu.make_async_copy(agg_sp.at[pl.ds(r0, 128)],
                              agg_out.at[cid, pl.ds(r0, 128)], gsem).wait()


def _sc_scatter(node_feats, te_rep, src4, dst4, tix4):
    mesh = plsc.VectorSubcoreMesh(core_axis_name="c", subcore_axis_name="s")
    f32 = jnp.float32
    return pl.kernel(
        _sc_body,
        out_type=[jax.ShapeDtypeStruct((NC, N_PAD, EMB), f32)],
        mesh=mesh,
        scratch_types=[
            pltpu.VMEM((2, CHUNK, GROUP), jnp.int32),
            pltpu.VMEM((2, CHUNK, GROUP), jnp.int32),
            pltpu.VMEM((2, CHUNK, GROUP), jnp.int32),
            pltpu.VMEM_SHARED((N_COMBO, EMB), f32),
            pltpu.VMEM((3, GROUP, EMB), f32),
            pltpu.VMEM_SHARED((N_PAD, EMB), f32),
            pltpu.SemaphoreType.DMA,
            pltpu.SemaphoreType.DMA,
            pltpu.SemaphoreType.DMA,
            pltpu.SemaphoreType.DMA,
        ],
        compiler_params=pltpu.CompilerParams(needs_layout_passes=False),
    )(node_feats, te_rep, src4, dst4, tix4)


def _tc_body(aggp, w1t, b1, w2t, b2, gamma, beta, out):
    agg = aggp[0] + aggp[1]
    h1 = jnp.maximum(
        jnp.dot(agg, w1t[...], preferred_element_type=jnp.float32) + b1[...], 0.0)
    h2 = jnp.dot(h1, w2t[...], preferred_element_type=jnp.float32) + b2[...]
    rows = lax.broadcasted_iota(jnp.int32, (N_PAD, 1), 0)
    m = (rows < N_NODES).astype(jnp.float32)
    inv_n = 1.0 / N_NODES
    mean = jnp.sum(h2 * m, axis=0, keepdims=True) * inv_n
    d = (h2 - mean) * m
    var = jnp.sum(d * d, axis=0, keepdims=True) * inv_n
    out[...] = (h2 - mean) * lax.rsqrt(var + 1e-5) * gamma[...] + beta[...]


def kernel(node_feats, edge_index, edge_feat_0, edge_feat_1,
           We0, be0, We1, be1, W1, b1, W2, b2, gamma, beta):
    shp = (NC * NS, N_CHUNKS, CHUNK, GROUP)
    src_p = edge_index[0].astype(jnp.int32).reshape(shp)
    dst_p = edge_index[1].astype(jnp.int32).reshape(shp)
    tix_p = (edge_feat_0 * 3 + edge_feat_1).astype(jnp.int32).reshape(shp)

    i0 = np.arange(18) // 3
    i1 = np.arange(18) % 3
    te18 = We0.T[i0] + We1.T[i1] + (be0 + be1)[None, :]
    te32 = jnp.concatenate([te18, jnp.zeros((N_COMBO - 18, EMB), jnp.float32)])

    (agg_parts,) = _sc_scatter(node_feats, te32, src_p, dst_p, tix_p)

    out = pl.pallas_call(
        _tc_body,
        out_shape=jax.ShapeDtypeStruct((N_PAD, EMB), jnp.float32),
    )(agg_parts, W1.T, b1.reshape(1, -1), W2.T, b2.reshape(1, -1),
      gamma.reshape(1, EMB), beta.reshape(1, EMB))
    return out[:N_NODES]

# --- scband reference (transcript-rebuilt; emitter-appended) ---
"""Pipeline reference for scband-ginlayer-8160437862943 (READ-ONLY COPY).

The authoritative reference and input builder live on the scoring server;
editing this copy changes nothing except your own understanding.
"""

import jax, jax.numpy as jnp
import numpy as np

N_NODES = 10000
N_EDGES = 320000
EMB = 128


def setup_inputs(seed: int = 0) -> dict:
    key = jax.random.key(seed)
    ks = jax.random.split(key, 16)
    node_feats = jax.random.normal(ks[0], (N_NODES, EMB), dtype=jnp.float32)
    edge_index = jax.random.randint(ks[1], (2, N_EDGES), 0, N_NODES, dtype=jnp.int64 if jax.config.read('jax_enable_x64') else jnp.int32)
    edge_feat_0 = jax.random.randint(ks[2], (N_EDGES,), 0, 6)
    edge_feat_1 = jax.random.randint(ks[3], (N_EDGES,), 0, 3)
    # edge embedding 'MLP' (num_layers=1 -> single Linear applied to one-hot index)
    We0 = jax.random.normal(ks[4], (EMB, 6), dtype=jnp.float32) * (1.0 / np.sqrt(6))
    be0 = jnp.zeros((EMB,), dtype=jnp.float32)
    We1 = jax.random.normal(ks[5], (EMB, 3), dtype=jnp.float32) * (1.0 / np.sqrt(3))
    be1 = jnp.zeros((EMB,), dtype=jnp.float32)
    # node MLP: Linear(EMB, 2*EMB) -> ReLU -> Linear(2*EMB, EMB)
    W1 = jax.random.normal(ks[6], (2 * EMB, EMB), dtype=jnp.float32) * (1.0 / np.sqrt(EMB))
    b1 = jnp.zeros((2 * EMB,), dtype=jnp.float32)
    W2 = jax.random.normal(ks[7], (EMB, 2 * EMB), dtype=jnp.float32) * (1.0 / np.sqrt(2 * EMB))
    b2 = jnp.zeros((EMB,), dtype=jnp.float32)
    # BatchNorm1d params (training-mode batch stats)
    gamma = jnp.ones((EMB,), dtype=jnp.float32)
    beta = jnp.zeros((EMB,), dtype=jnp.float32)
    return {
        'node_feats': node_feats,
        'edge_index': edge_index,
        'edge_feat_0': edge_feat_0,
        'edge_feat_1': edge_feat_1,
        'We0': We0, 'be0': be0, 'We1': We1, 'be1': be1,
        'W1': W1, 'b1': b1, 'W2': W2, 'b2': b2,
        'gamma': gamma, 'beta': beta,
    }


def reference(node_feats, edge_index, edge_feat_0, edge_feat_1,
              We0, be0, We1, be1, W1, b1, W2, b2, gamma, beta):
    n_nodes = node_feats.shape[0]
    # edge embeddings: Linear applied to one-hot categorical feature == column gather + bias
    e0 = jnp.take(We0.T, edge_feat_0, axis=0) + be0  # [E, EMB]
    e1 = jnp.take(We1.T, edge_feat_1, axis=0) + be1  # [E, EMB]
    edge_embeds = e0 + e1
    src = edge_index[0]
    dst = edge_index[1]
    # message: u_add_e, reduce: sum onto destination nodes
    m = jnp.take(node_feats, src, axis=0) + edge_embeds  # [E, EMB]
    agg = jax.ops.segment_sum(m, dst, num_segments=n_nodes)  # [N, EMB]
    # node MLP
    h = jnp.maximum(agg @ W1.T + b1, 0.0)
    h = h @ W2.T + b2
    # BatchNorm1d (training mode: batch statistics)
    mean = jnp.mean(h, axis=0)
    var = jnp.var(h, axis=0)
    h = (h - mean) / jnp.sqrt(var + 1e-5) * gamma + beta
    # activation is None
    return h

if __name__ == "__main__":
    import jax
    _d = setup_inputs()
    print(jax.jit(kernel)(*tuple(_d.values())))

</pallas_src>

<mosaic_0001>
#map = affine_map<(d0, d1) -> (0, 0)>
#map1 = affine_map<(d0, d1) -> (0, 0, 0, 0)>
#map2 = affine_map<(d0, d1) -> (0, 0, 0)>
module attributes {stable_mosaic.version = 14 : i64} {
  func.func @_sc_body(%arg0: i32, %arg1: i32, %arg2: memref<10000x128xf32, #tpu.memory_space<hbm>>, %arg3: memref<32x128xf32, #tpu.memory_space<hbm>>, %arg4: memref<32x25x5x80xi32, #tpu.memory_space<hbm>>, %arg5: memref<32x25x5x80xi32, #tpu.memory_space<hbm>>, %arg6: memref<32x25x5x80xi32, #tpu.memory_space<hbm>>, %arg7: memref<2x10240x128xf32, #tpu.memory_space<hbm>>, %arg8: memref<2x5x80xi32, #tpu.memory_space<vmem>>, %arg9: memref<2x5x80xi32, #tpu.memory_space<vmem>>, %arg10: memref<2x5x80xi32, #tpu.memory_space<vmem>>, %arg11: memref<32x128xf32, #tpu.memory_space<vmem_shared>>, %arg12: memref<3x80x128xf32, #tpu.memory_space<vmem>>, %arg13: memref<10240x128xf32, #tpu.memory_space<vmem_shared>>, %arg14: memref<!tpu.dma_semaphore, #tpu.memory_space<semaphore_mem>>, %arg15: memref<!tpu.dma_semaphore, #tpu.memory_space<semaphore_mem>>, %arg16: memref<!tpu.dma_semaphore, #tpu.memory_space<semaphore_mem>>, %arg17: memref<!tpu.dma_semaphore, #tpu.memory_space<semaphore_mem>>) attributes {dimension_semantics = [#tpu.dimension_semantics<core_parallel>, #tpu.dimension_semantics<subcore_parallel>], iteration_bounds = array<i64: 2, 16>, scalar_prefetch = 0 : i64, scratch_operands = 10 : i64, tpu.core_type = #tpu.core_type<sc_vector_subcore>, window_params = [{transform_indices = #map}, {transform_indices = #map}, {transform_indices = #map1}, {transform_indices = #map1}, {transform_indices = #map1}, {transform_indices = #map2}]} {
    %mul3A = arith.constant 16 : i32
    %mul3A_0 = arith.muli %arg0, %mul3A : i32
    %add3A = arith.addi %mul3A_0, %arg1 : i32
    %broadcast_in_dim3A = arith.constant 0.000000e+00 : f32
    %broadcast_in_dim3A_1 = vector.broadcast %broadcast_in_dim3A : f32 to vector<16xf32>
    %eq3A = arith.constant 0 : i32
    %eq3A_2 = arith.cmpi eq, %arg1, %eq3A : i32
    %convert_element_type3A = arith.extui %eq3A_2 : i1 to i32
    %cond3A = arith.constant 0 : i32
    %cond3A_3 = arith.cmpi ne, %convert_element_type3A, %cond3A : i32
    scf.if %cond3A_3 {
      "tpu.region"() ({
        %run_scoped3A = tpu.sem_alloc : memref<!tpu.dma_semaphore, #tpu.memory_space<semaphore_mem>>
        tpu.enqueue_dma source(%arg3 : memref<32x128xf32, #tpu.memory_space<hbm>>) target(%arg11 : memref<32x128xf32, #tpu.memory_space<vmem_shared>>) target_semaphore(%run_scoped3A : memref<!tpu.dma_semaphore, #tpu.memory_space<semaphore_mem>>)
        tpu.wait_dma2 semaphore(%run_scoped3A : memref<!tpu.dma_semaphore, #tpu.memory_space<semaphore_mem>>) src(%arg3 : memref<32x128xf32, #tpu.memory_space<hbm>>) dst(%arg11 : memref<32x128xf32, #tpu.memory_space<vmem_shared>>)
        tpu.yield
      }) : () -> ()
    } else {
    }
    %scan3A = arith.constant 0 : i32
    %scan3A_4 = arith.constant 0 : i32
    %scan3A_5 = arith.constant 80 : i32
    %scan3A_6 = arith.addi %scan3A_4, %scan3A_5 : i32
    %scan3A_7 = arith.constant 1 : i32
    scf.for %scan3A_453 = %scan3A_4 to %scan3A_6 step %scan3A_7  : i32 {
      %swap3A = arith.constant 0 : i32
      %swap3A_454 = arith.index_cast %swap3A : i32 to index
      %swap3A_455 = arith.index_cast %scan3A_453 : i32 to index
      %swap3A_456 = arith.constant 0 : index
      %swap3A_457 = tpu.vector_load %arg12[%swap3A_454, %swap3A_455, %swap3A_456] {strides = array<i32>} : memref<3x80x128xf32, #tpu.memory_space<vmem>>, vector<16xf32>,
      tpu.vector_store %arg12[%swap3A_454, %swap3A_455, %swap3A_456], %broadcast_in_dim3A_1 {strides = array<i32>} : memref<3x80x128xf32, #tpu.memory_space<vmem>>, vector<16xf32>,
      %swap3A_458 = arith.constant 0 : i32
      %swap3A_459 = arith.index_cast %swap3A_458 : i32 to index
      %swap3A_460 = arith.index_cast %scan3A_453 : i32 to index
      %swap3A_461 = arith.constant 16 : index
      %swap3A_462 = tpu.vector_load %arg12[%swap3A_459, %swap3A_460, %swap3A_461] {strides = array<i32>} : memref<3x80x128xf32, #tpu.memory_space<vmem>>, vector<16xf32>,
      tpu.vector_store %arg12[%swap3A_459, %swap3A_460, %swap3A_461], %broadcast_in_dim3A_1 {strides = array<i32>} : memref<3x80x128xf32, #tpu.memory_space<vmem>>, vector<16xf32>,
      %swap3A_463 = arith.constant 0 : i32
      %swap3A_464 = arith.index_cast %swap3A_463 : i32 to index
      %swap3A_465 = arith.index_cast %scan3A_453 : i32 to index
      %swap3A_466 = arith.constant 32 : index
      %swap3A_467 = tpu.vector_load %arg12[%swap3A_464, %swap3A_465, %swap3A_466] {strides = array<i32>} : memref<3x80x128xf32, #tpu.memory_space<vmem>>, vector<16xf32>,
      tpu.vector_store %arg12[%swap3A_464, %swap3A_465, %swap3A_466], %broadcast_in_dim3A_1 {strides = array<i32>} : memref<3x80x128xf32, #tpu.memory_space<vmem>>, vector<16xf32>,
      %swap3A_468 = arith.constant 0 : i32
      %swap3A_469 = arith.index_cast %swap3A_468 : i32 to index
      %swap3A_470 = arith.index_cast %scan3A_453 : i32 to index
      %swap3A_471 = arith.constant 48 : index
      %swap3A_472 = tpu.vector_load %arg12[%swap3A_469, %swap3A_470, %swap3A_471] {strides = array<i32>} : memref<3x80x128xf32, #tpu.memory_space<vmem>>, vector<16xf32>,
      tpu.vector_store %arg12[%swap3A_469, %swap3A_470, %swap3A_471], %broadcast_in_dim3A_1 {strides = array<i32>} : memref<3x80x128xf32, #tpu.memory_space<vmem>>, vector<16xf32>,
      %swap3A_473 = arith.constant 0 : i32
      %swap3A_474 = arith.index_cast %swap3A_473 : i32 to index
      %swap3A_475 = arith.index_cast %scan3A_453 : i32 to index
      %swap3A_476 = arith.constant 64 : index
      %swap3A_477 = tpu.vector_load %arg12[%swap3A_474, %swap3A_475, %swap3A_476] {strides = array<i32>} : memref<3x80x128xf32, #tpu.memory_space<vmem>>, vector<16xf32>,
      tpu.vector_store %arg12[%swap3A_474, %swap3A_475, %swap3A_476], %broadcast_in_dim3A_1 {strides = array<i32>} : memref<3x80x128xf32, #tpu.memory_space<vmem>>, vector<16xf32>,
      %swap3A_478 = arith.constant 0 : i32
      %swap3A_479 = arith.index_cast %swap3A_478 : i32 to index
      %swap3A_480 = arith.index_cast %scan3A_453 : i32 to index
      %swap3A_481 = arith.constant 80 : index
      %swap3A_482 = tpu.vector_load %arg12[%swap3A_479, %swap3A_480, %swap3A_481] {strides = array<i32>} : memref<3x80x128xf32, #tpu.memory_space<vmem>>, vector<16xf32>,
      tpu.vector_store %arg12[%swap3A_479, %swap3A_480, %swap3A_481], %broadcast_in_dim3A_1 {strides = array<i32>} : memref<3x80x128xf32, #tpu.memory_space<vmem>>, vector<16xf32>,
      %swap3A_483 = arith.constant 0 : i32
      %swap3A_484 = arith.index_cast %swap3A_483 : i32 to index
      %swap3A_485 = arith.index_cast %scan3A_453 : i32 to index
      %swap3A_486 = arith.constant 96 : index
      %swap3A_487 = tpu.vector_load %arg12[%swap3A_484, %swap3A_485, %swap3A_486] {strides = array<i32>} : memref<3x80x128xf32, #tpu.memory_space<vmem>>, vector<16xf32>,
      tpu.vector_store %arg12[%swap3A_484, %swap3A_485, %swap3A_486], %broadcast_in_dim3A_1 {strides = array<i32>} : memref<3x80x128xf32, #tpu.memory_space<vmem>>, vector<16xf32>,
      %swap3A_488 = arith.constant 0 : i32
      %swap3A_489 = arith.index_cast %swap3A_488 : i32 to index
      %swap3A_490 = arith.index_cast %scan3A_453 : i32 to index
      %swap3A_491 = arith.constant 112 : index
      %swap3A_492 = tpu.vector_load %arg12[%swap3A_489, %swap3A_490, %swap3A_491] {strides = array<i32>} : memref<3x80x128xf32, #tpu.memory_space<vmem>>, vector<16xf32>,
      tpu.vector_store %arg12[%swap3A_489, %swap3A_490, %swap3A_491], %broadcast_in_dim3A_1 {strides = array<i32>} : memref<3x80x128xf32, #tpu.memory_space<vmem>>, vector<16xf32>,
    }
    %scan3A_8 = arith.constant 80 : i32
    %mul3A_9 = arith.constant 640 : i32
    %mul3A_10 = arith.muli %arg1, %mul3A_9 : i32
    %add3A_11 = arith.constant 0 : i32
    %add3A_12 = arith.addi %mul3A_10, %add3A_11 : i32
    %dma_start3A = arith.constant 0 : i32
    %dma_start3A_13 = arith.constant 0 : i32
    %dma_start3A_14 = arith.constant 0 : i32
    %dma_start3A_15 = tpu.memref_slice %arg12[%dma_start3A, %dma_start3A_13, %dma_start3A_14] : memref<3x80x128xf32, #tpu.memory_space<vmem>> -> memref<1x80x128xf32, #tpu.memory_space<vmem>>
    %dma_start3A_16 = tpu.memref_squeeze %dma_start3A_15 : memref<1x80x128xf32, #tpu.memory_space<vmem>> -> memref<80x128xf32, #tpu.memory_space<vmem>>
    %dma_start3A_17 = arith.constant 0 : i32
    %dma_start3A_18 = tpu.memref_slice %arg13[%add3A_12, %dma_start3A_17] : memref<10240x128xf32, #tpu.memory_space<vmem_shared>> -> memref<80x128xf32, #tpu.memory_space<vmem_shared>>
    %dma_start3A_19 = arith.constant 0 : i32
    %dma_start3A_20 = tpu.memref_slice %arg13[%add3A_12, %dma_start3A_19] : memref<10240x128xf32, #tpu.memory_space<vmem_shared>> -> memref<80x128xf32, #tpu.memory_space<vmem_shared>>
    %dma_start3A_21 = arith.constant 0 : i32
    %dma_start3A_22 = arith.constant 0 : i32
    %dma_start3A_23 = tpu.memref_slice %arg12[%dma_start3A, %dma_start3A_21, %dma_start3A_22] : memref<3x80x128xf32, #tpu.memory_space<vmem>> -> memref<1x80x128xf32, #tpu.memory_space<vmem>>
    %dma_start3A_24 = tpu.memref_squeeze %dma_start3A_23 : memref<1x80x128xf32, #tpu.memory_space<vmem>> -> memref<80x128xf32, #tpu.memory_space<vmem>>
    tpu.enqueue_dma source(%dma_start3A_24 : memref<80x128xf32, #tpu.memory_space<vmem>>) target(%dma_start3A_20 : memref<80x128xf32, #tpu.memory_space<vmem_shared>>) target_semaphore(%arg16 : memref<!tpu.dma_semaphore, #tpu.memory_space<semaphore_mem>>)
    %add3A_25 = arith.constant 80 : i32
    %add3A_26 = arith.addi %mul3A_10, %add3A_25 : i32
    %dma_start3A_27 = arith.constant 0 : i32
    %dma_start3A_28 = arith.constant 0 : i32
    %dma_start3A_29 = arith.constant 0 : i32
    %dma_start3A_30 = tpu.memref_slice %arg12[%dma_start3A_27, %dma_start3A_28, %dma_start3A_29] : memref<3x80x128xf32, #tpu.memory_space<vmem>> -> memref<1x80x128xf32, #tpu.memory_space<vmem>>
    %dma_start3A_31 = tpu.memref_squeeze %dma_start3A_30 : memref<1x80x128xf32, #tpu.memory_space<vmem>> -> memref<80x128xf32, #tpu.memory_space<vmem>>
    %dma_start3A_32 = arith.constant 0 : i32
    %dma_start3A_33 = tpu.memref_slice %arg13[%add3A_26, %dma_start3A_32] : memref<10240x128xf32, #tpu.memory_space<vmem_shared>> -> memref<80x128xf32, #tpu.memory_space<vmem_shared>>
    %dma_start3A_34 = arith.constant 0 : i32
    %dma_start3A_35 = tpu.memref_slice %arg13[%add3A_26, %dma_start3A_34] : memref<10240x128xf32, #tpu.memory_space<vmem_shared>> -> memref<80x128xf32, #tpu.memory_space<vmem_shared>>
    %dma_start3A_36 = arith.constant 0 : i32
    %dma_start3A_37 = arith.constant 0 : i32
    %dma_start3A_38 = tpu.memref_slice %arg12[%dma_start3A_27, %dma_start3A_36, %dma_start3A_37] : memref<3x80x128xf32, #tpu.memory_space<vmem>> -> memref<1x80x128xf32, #tpu.memory_space<vmem>>
    %dma_start3A_39 = tpu.memref_squeeze %dma_start3A_38 : memref<1x80x128xf32, #tpu.memory_space<vmem>> -> memref<80x128xf32, #tpu.memory_space<vmem>>
    tpu.enqueue_dma source(%dma_start3A_39 : memref<80x128xf32, #tpu.memory_space<vmem>>) target(%dma_start3A_35 : memref<80x128xf32, #tpu.memory_space<vmem_shared>>) target_semaphore(%arg16 : memref<!tpu.dma_semaphore, #tpu.memory_space<semaphore_mem>>)
    %add3A_40 = arith.constant 160 : i32
    %add3A_41 = arith.addi %mul3A_10, %add3A_40 : i32
    %dma_start3A_42 = arith.constant 0 : i32
    %dma_start3A_43 = arith.constant 0 : i32
    %dma_start3A_44 = arith.constant 0 : i32
    %dma_start3A_45 = tpu.memref_slice %arg12[%dma_start3A_42, %dma_start3A_43, %dma_start3A_44] : memref<3x80x128xf32, #tpu.memory_space<vmem>> -> memref<1x80x128xf32, #tpu.memory_space<vmem>>
    %dma_start3A_46 = tpu.memref_squeeze %dma_start3A_45 : memref<1x80x128xf32, #tpu.memory_space<vmem>> -> memref<80x128xf32, #tpu.memory_space<vmem>>
    %dma_start3A_47 = arith.constant 0 : i32
    %dma_start3A_48 = tpu.memref_slice %arg13[%add3A_41, %dma_start3A_47] : memref<10240x128xf32, #tpu.memory_space<vmem_shared>> -> memref<80x128xf32, #tpu.memory_space<vmem_shared>>
    %dma_start3A_49 = arith.constant 0 : i32
    %dma_start3A_50 = tpu.memref_slice %arg13[%add3A_41, %dma_start3A_49] : memref<10240x128xf32, #tpu.memory_space<vmem_shared>> -> memref<80x128xf32, #tpu.memory_space<vmem_shared>>
    %dma_start3A_51 = arith.constant 0 : i32
    %dma_start3A_52 = arith.constant 0 : i32
    %dma_start3A_53 = tpu.memref_slice %arg12[%dma_start3A_42, %dma_start3A_51, %dma_start3A_52] : memref<3x80x128xf32, #tpu.memory_space<vmem>> -> memref<1x80x128xf32, #tpu.memory_space<vmem>>
    %dma_start3A_54 = tpu.memref_squeeze %dma_start3A_53 : memref<1x80x128xf32, #tpu.memory_space<vmem>> -> memref<80x128xf32, #tpu.memory_space<vmem>>
    tpu.enqueue_dma source(%dma_start3A_54 : memref<80x128xf32, #tpu.memory_space<vmem>>) target(%dma_start3A_50 : memref<80x128xf32, #tpu.memory_space<vmem_shared>>) target_semaphore(%arg16 : memref<!tpu.dma_semaphore, #tpu.memory_space<semaphore_mem>>)
    %add3A_55 = arith.constant 240 : i32
    %add3A_56 = arith.addi %mul3A_10, %add3A_55 : i32
    %dma_start3A_57 = arith.constant 0 : i32
    %dma_start3A_58 = arith.constant 0 : i32
    %dma_start3A_59 = arith.constant 0 : i32
    %dma_start3A_60 = tpu.memref_slice %arg12[%dma_start3A_57, %dma_start3A_58, %dma_start3A_59] : memref<3x80x128xf32, #tpu.memory_space<vmem>> -> memref<1x80x128xf32, #tpu.memory_space<vmem>>
    %dma_start3A_61 = tpu.memref_squeeze %dma_start3A_60 : memref<1x80x128xf32, #tpu.memory_space<vmem>> -> memref<80x128xf32, #tpu.memory_space<vmem>>
    %dma_start3A_62 = arith.constant 0 : i32
    %dma_start3A_63 = tpu.memref_slice %arg13[%add3A_56, %dma_start3A_62] : memref<10240x128xf32, #tpu.memory_space<vmem_shared>> -> memref<80x128xf32, #tpu.memory_space<vmem_shared>>
    %dma_start3A_64 = arith.constant 0 : i32
    %dma_start3A_65 = tpu.memref_slice %arg13[%add3A_56, %dma_start3A_64] : memref<10240x128xf32, #tpu.memory_space<vmem_shared>> -> memref<80x128xf32, #tpu.memory_space<vmem_shared>>
    %dma_start3A_66 = arith.constant 0 : i32
    %dma_start3A_67 = arith.constant 0 : i32
    %dma_start3A_68 = tpu.memref_slice %arg12[%dma_start3A_57, %dma_start3A_66, %dma_start3A_67] : memref<3x80x128xf32, #tpu.memory_space<vmem>> -> memref<1x80x128xf32, #tpu.memory_space<vmem>>
    %dma_start3A_69 = tpu.memref_squeeze %dma_start3A_68 : memref<1x80x128xf32, #tpu.memory_space<vmem>> -> memref<80x128xf32, #tpu.memory_space<vmem>>
    tpu.enqueue_dma source(%dma_start3A_69 : memref<80x128xf32, #tpu.memory_space<vmem>>) target(%dma_start3A_65 : memref<80x128xf32, #tpu.memory_space<vmem_shared>>) target_semaphore(%arg16 : memref<!tpu.dma_semaphore, #tpu.memory_space<semaphore_mem>>)
    %add3A_70 = arith.constant 320 : i32
    %add3A_71 = arith.addi %mul3A_10, %add3A_70 : i32
    %dma_start3A_72 = arith.constant 0 : i32
    %dma_start3A_73 = arith.constant 0 : i32
    %dma_start3A_74 = arith.constant 0 : i32
    %dma_start3A_75 = tpu.memref_slice %arg12[%dma_start3A_72, %dma_start3A_73, %dma_start3A_74] : memref<3x80x128xf32, #tpu.memory_space<vmem>> -> memref<1x80x128xf32, #tpu.memory_space<vmem>>
    %dma_start3A_76 = tpu.memref_squeeze %dma_start3A_75 : memref<1x80x128xf32, #tpu.memory_space<vmem>> -> memref<80x128xf32, #tpu.memory_space<vmem>>
    %dma_start3A_77 = arith.constant 0 : i32
    %dma_start3A_78 = tpu.memref_slice %arg13[%add3A_71, %dma_start3A_77] : memref<10240x128xf32, #tpu.memory_space<vmem_shared>> -> memref<80x128xf32, #tpu.memory_space<vmem_shared>>
    %dma_start3A_79 = arith.constant 0 : i32
    %dma_start3A_80 = tpu.memref_slice %arg13[%add3A_71, %dma_start3A_79] : memref<10240x128xf32, #tpu.memory_space<vmem_shared>> -> memref<80x128xf32, #tpu.memory_space<vmem_shared>>
    %dma_start3A_81 = arith.constant 0 : i32
    %dma_start3A_82 = arith.constant 0 : i32
    %dma_start3A_83 = tpu.memref_slice %arg12[%dma_start3A_72, %dma_start3A_81, %dma_start3A_82] : memref<3x80x128xf32, #tpu.memory_space<vmem>> -> memref<1x80x128xf32, #tpu.memory_space<vmem>>
    %dma_start3A_84 = tpu.memref_squeeze %dma_start3A_83 : memref<1x80x128xf32, #tpu.memory_space<vmem>> -> memref<80x128xf32, #tpu.memory_space<vmem>>
    tpu.enqueue_dma source(%dma_start3A_84 : memref<80x128xf32, #tpu.memory_space<vmem>>) target(%dma_start3A_80 : memref<80x128xf32, #tpu.memory_space<vmem_shared>>) target_semaphore(%arg16 : memref<!tpu.dma_semaphore, #tpu.memory_space<semaphore_mem>>)
    %add3A_85 = arith.constant 400 : i32
    %add3A_86 = arith.addi %mul3A_10, %add3A_85 : i32
    %dma_start3A_87 = arith.constant 0 : i32
    %dma_start3A_88 = arith.constant 0 : i32
    %dma_start3A_89 = arith.constant 0 : i32
    %dma_start3A_90 = tpu.memref_slice %arg12[%dma_start3A_87, %dma_start3A_88, %dma_start3A_89] : memref<3x80x128xf32, #tpu.memory_space<vmem>> -> memref<1x80x128xf32, #tpu.memory_space<vmem>>
    %dma_start3A_91 = tpu.memref_squeeze %dma_start3A_90 : memref<1x80x128xf32, #tpu.memory_space<vmem>> -> memref<80x128xf32, #tpu.memory_space<vmem>>
    %dma_start3A_92 = arith.constant 0 : i32
    %dma_start3A_93 = tpu.memref_slice %arg13[%add3A_86, %dma_start3A_92] : memref<10240x128xf32, #tpu.memory_space<vmem_shared>> -> memref<80x128xf32, #tpu.memory_space<vmem_shared>>
    %dma_start3A_94 = arith.constant 0 : i32
    %dma_start3A_95 = tpu.memref_slice %arg13[%add3A_86, %dma_start3A_94] : memref<10240x128xf32, #tpu.memory_space<vmem_shared>> -> memref<80x128xf32, #tpu.memory_space<vmem_shared>>
    %dma_start3A_96 = arith.constant 0 : i32
    %dma_start3A_97 = arith.constant 0 : i32
    %dma_start3A_98 = tpu.memref_slice %arg12[%dma_start3A_87, %dma_start3A_96, %dma_start3A_97] : memref<3x80x128xf32, #tpu.memory_space<vmem>> -> memref<1x80x128xf32, #tpu.memory_space<vmem>>
    %dma_start3A_99 = tpu.memref_squeeze %dma_start3A_98 : memref<1x80x128xf32, #tpu.memory_space<vmem>> -> memref<80x128xf32, #tpu.memory_space<vmem>>
    tpu.enqueue_dma source(%dma_start3A_99 : memref<80x128xf32, #tpu.memory_space<vmem>>) target(%dma_start3A_95 : memref<80x128xf32, #tpu.memory_space<vmem_shared>>) target_semaphore(%arg16 : memref<!tpu.dma_semaphore, #tpu.memory_space<semaphore_mem>>)
    %add3A_100 = arith.constant 480 : i32
    %add3A_101 = arith.addi %mul3A_10, %add3A_100 : i32
    %dma_start3A_102 = arith.constant 0 : i32
    %dma_start3A_103 = arith.constant 0 : i32
    %dma_start3A_104 = arith.constant 0 : i32
    %dma_start3A_105 = tpu.memref_slice %arg12[%dma_start3A_102, %dma_start3A_103, %dma_start3A_104] : memref<3x80x128xf32, #tpu.memory_space<vmem>> -> memref<1x80x128xf32, #tpu.memory_space<vmem>>
    %dma_start3A_106 = tpu.memref_squeeze %dma_start3A_105 : memref<1x80x128xf32, #tpu.memory_space<vmem>> -> memref<80x128xf32, #tpu.memory_space<vmem>>
    %dma_start3A_107 = arith.constant 0 : i32
    %dma_start3A_108 = tpu.memref_slice %arg13[%add3A_101, %dma_start3A_107] : memref<10240x128xf32, #tpu.memory_space<vmem_shared>> -> memref<80x128xf32, #tpu.memory_space<vmem_shared>>
    %dma_start3A_109 = arith.constant 0 : i32
    %dma_start3A_110 = tpu.memref_slice %arg13[%add3A_101, %dma_start3A_109] : memref<10240x128xf32, #tpu.memory_space<vmem_shared>> -> memref<80x128xf32, #tpu.memory_space<vmem_shared>>
    %dma_start3A_111 = arith.constant 0 : i32
    %dma_start3A_112 = arith.constant 0 : i32
    %dma_start3A_113 = tpu.memref_slice %arg12[%dma_start3A_102, %dma_start3A_111, %dma_start3A_112] : memref<3x80x128xf32, #tpu.memory_space<vmem>> -> memref<1x80x128xf32, #tpu.memory_space<vmem>>
    %dma_start3A_114 = tpu.memref_squeeze %dma_start3A_113 : memref<1x80x128xf32, #tpu.memory_space<vmem>> -> memref<80x128xf32, #tpu.memory_space<vmem>>
    tpu.enqueue_dma source(%dma_start3A_114 : memref<80x128xf32, #tpu.memory_space<vmem>>) target(%dma_start3A_110 : memref<80x128xf32, #tpu.memory_space<vmem_shared>>) target_semaphore(%arg16 : memref<!tpu.dma_semaphore, #tpu.memory_space<semaphore_mem>>)
    %add3A_115 = arith.constant 560 : i32
    %add3A_116 = arith.addi %mul3A_10, %add3A_115 : i32
    %dma_start3A_117 = arith.constant 0 : i32
    %dma_start3A_118 = arith.constant 0 : i32
    %dma_start3A_119 = arith.constant 0 : i32
    %dma_start3A_120 = tpu.memref_slice %arg12[%dma_start3A_117, %dma_start3A_118, %dma_start3A_119] : memref<3x80x128xf32, #tpu.memory_space<vmem>> -> memref<1x80x128xf32, #tpu.memory_space<vmem>>
    %dma_start3A_121 = tpu.memref_squeeze %dma_start3A_120 : memref<1x80x128xf32, #tpu.memory_space<vmem>> -> memref<80x128xf32, #tpu.memory_space<vmem>>
    %dma_start3A_122 = arith.constant 0 : i32
    %dma_start3A_123 = tpu.memref_slice %arg13[%add3A_116, %dma_start3A_122] : memref<10240x128xf32, #tpu.memory_space<vmem_shared>> -> memref<80x128xf32, #tpu.memory_space<vmem_shared>>
    %dma_start3A_124 = arith.constant 0 : i32
    %dma_start3A_125 = tpu.memref_slice %arg13[%add3A_116, %dma_start3A_124] : memref<10240x128xf32, #tpu.memory_space<vmem_shared>> -> memref<80x128xf32, #tpu.memory_space<vmem_shared>>
    %dma_start3A_126 = arith.constant 0 : i32
    %dma_start3A_127 = arith.constant 0 : i32
    %dma_start3A_128 = tpu.memref_slice %arg12[%dma_start3A_117, %dma_start3A_126, %dma_start3A_127] : memref<3x80x128xf32, #tpu.memory_space<vmem>> -> memref<1x80x128xf32, #tpu.memory_space<vmem>>
    %dma_start3A_129 = tpu.memref_squeeze %dma_start3A_128 : memref<1x80x128xf32, #tpu.memory_space<vmem>> -> memref<80x128xf32, #tpu.memory_space<vmem>>
    tpu.enqueue_dma source(%dma_start3A_129 : memref<80x128xf32, #tpu.memory_space<vmem>>) target(%dma_start3A_125 : memref<80x128xf32, #tpu.memory_space<vmem_shared>>) target_semaphore(%arg16 : memref<!tpu.dma_semaphore, #tpu.memory_space<semaphore_mem>>)
    %add3A_130 = arith.constant 0 : i32
    %add3A_131 = arith.addi %mul3A_10, %add3A_130 : i32
    %dma_wait3A = arith.constant 0 : i32
    %dma_wait3A_132 = arith.constant 0 : i32
    %dma_wait3A_133 = arith.constant 0 : i32
    %dma_wait3A_134 = tpu.memref_slice %arg12[%dma_wait3A, %dma_wait3A_132, %dma_wait3A_133] : memref<3x80x128xf32, #tpu.memory_space<vmem>> -> memref<1x80x128xf32, #tpu.memory_space<vmem>>
    %dma_wait3A_135 = tpu.memref_squeeze %dma_wait3A_134 : memref<1x80x128xf32, #tpu.memory_space<vmem>> -> memref<80x128xf32, #tpu.memory_space<vmem>>
    %dma_wait3A_136 = arith.constant 0 : i32
    %dma_wait3A_137 = tpu.memref_slice %arg13[%add3A_131, %dma_wait3A_136] : memref<10240x128xf32, #tpu.memory_space<vmem_shared>> -> memref<80x128xf32, #tpu.memory_space<vmem_shared>>
    %dma_wait3A_138 = arith.constant 0 : i32
    %dma_wait3A_139 = tpu.memref_slice %arg13[%add3A_131, %dma_wait3A_138] : memref<10240x128xf32, #tpu.memory_space<vmem_shared>> -> memref<80x128xf32, #tpu.memory_space<vmem_shared>>
    %dma_wait3A_140 = arith.constant 0 : i32
    %dma_wait3A_141 = arith.constant 0 : i32
    %dma_wait3A_142 = tpu.memref_slice %arg12[%dma_wait3A, %dma_wait3A_140, %dma_wait3A_141] : memref<3x80x128xf32, #tpu.memory_space<vmem>> -> memref<1x80x128xf32, #tpu.memory_space<vmem>>
    %dma_wait3A_143 = tpu.memref_squeeze %dma_wait3A_142 : memref<1x80x128xf32, #tpu.memory_space<vmem>> -> memref<80x128xf32, #tpu.memory_space<vmem>>
    tpu.wait_dma2 semaphore(%arg16 : memref<!tpu.dma_semaphore, #tpu.memory_space<semaphore_mem>>) src(%dma_wait3A_143 : memref<80x128xf32, #tpu.memory_space<vmem>>) dst(%dma_wait3A_139 : memref<80x128xf32, #tpu.memory_space<vmem_shared>>)
    %add3A_144 = arith.constant 80 : i32
    %add3A_145 = arith.addi %mul3A_10, %add3A_144 : i32
    %dma_wait3A_146 = arith.constant 0 : i32
    %dma_wait3A_147 = arith.constant 0 : i32
    %dma_wait3A_148 = arith.constant 0 : i32
    %dma_wait3A_149 = tpu.memref_slice %arg12[%dma_wait3A_146, %dma_wait3A_147, %dma_wait3A_148] : memref<3x80x128xf32, #tpu.memory_space<vmem>> -> memref<1x80x128xf32, #tpu.memory_space<vmem>>
    %dma_wait3A_150 = tpu.memref_squeeze %dma_wait3A_149 : memref<1x80x128xf32, #tpu.memory_space<vmem>> -> memref<80x128xf32, #tpu.memory_space<vmem>>
    %dma_wait3A_151 = arith.constant 0 : i32
    %dma_wait3A_152 = tpu.memref_slice %arg13[%add3A_145, %dma_wait3A_151] : memref<10240x128xf32, #tpu.memory_space<vmem_shared>> -> memref<80x128xf32, #tpu.memory_space<vmem_shared>>
    %dma_wait3A_153 = arith.constant 0 : i32
    %dma_wait3A_154 = tpu.memref_slice %arg13[%add3A_145, %dma_wait3A_153] : memref<10240x128xf32, #tpu.memory_space<vmem_shared>> -> memref<80x128xf32, #tpu.memory_space<vmem_shared>>
    %dma_wait3A_155 = arith.constant 0 : i32
    %dma_wait3A_156 = arith.constant 0 : i32
    %dma_wait3A_157 = tpu.memref_slice %arg12[%dma_wait3A_146, %dma_wait3A_155, %dma_wait3A_156] : memref<3x80x128xf32, #tpu.memory_space<vmem>> -> memref<1x80x128xf32, #tpu.memory_space<vmem>>
    %dma_wait3A_158 = tpu.memref_squeeze %dma_wait3A_157 : memref<1x80x128xf32, #tpu.memory_space<vmem>> -> memref<80x128xf32, #tpu.memory_space<vmem>>
    tpu.wait_dma2 semaphore(%arg16 : memref<!tpu.dma_semaphore, #tpu.memory_space<semaphore_mem>>) src(%dma_wait3A_158 : memref<80x128xf32, #tpu.memory_space<vmem>>) dst(%dma_wait3A_154 : memref<80x128xf32, #tpu.memory_space<vmem_shared>>)
    %add3A_159 = arith.constant 160 : i32
    %add3A_160 = arith.addi %mul3A_10, %add3A_159 : i32
    %dma_wait3A_161 = arith.constant 0 : i32
    %dma_wait3A_162 = arith.constant 0 : i32
    %dma_wait3A_163 = arith.constant 0 : i32
    %dma_wait3A_164 = tpu.memref_slice %arg12[%dma_wait3A_161, %dma_wait3A_162, %dma_wait3A_163] : memref<3x80x128xf32, #tpu.memory_space<vmem>> -> memref<1x80x128xf32, #tpu.memory_space<vmem>>
    %dma_wait3A_165 = tpu.memref_squeeze %dma_wait3A_164 : memref<1x80x128xf32, #tpu.memory_space<vmem>> -> memref<80x128xf32, #tpu.memory_space<vmem>>
    %dma_wait3A_166 = arith.constant 0 : i32
    %dma_wait3A_167 = tpu.memref_slice %arg13[%add3A_160, %dma_wait3A_166] : memref<10240x128xf32, #tpu.memory_space<vmem_shared>> -> memref<80x128xf32, #tpu.memory_space<vmem_shared>>
    %dma_wait3A_168 = arith.constant 0 : i32
    %dma_wait3A_169 = tpu.memref_slice %arg13[%add3A_160, %dma_wait3A_168] : memref<10240x128xf32, #tpu.memory_space<vmem_shared>> -> memref<80x128xf32, #tpu.memory_space<vmem_shared>>
    %dma_wait3A_170 = arith.constant 0 : i32
    %dma_wait3A_171 = arith.constant 0 : i32
    %dma_wait3A_172 = tpu.memref_slice %arg12[%dma_wait3A_161, %dma_wait3A_170, %dma_wait3A_171] : memref<3x80x128xf32, #tpu.memory_space<vmem>> -> memref<1x80x128xf32, #tpu.memory_space<vmem>>
    %dma_wait3A_173 = tpu.memref_squeeze %dma_wait3A_172 : memref<1x80x128xf32, #tpu.memory_space<vmem>> -> memref<80x128xf32, #tpu.memory_space<vmem>>
    tpu.wait_dma2 semaphore(%arg16 : memref<!tpu.dma_semaphore, #tpu.memory_space<semaphore_mem>>) src(%dma_wait3A_173 : memref<80x128xf32, #tpu.memory_space<vmem>>) dst(%dma_wait3A_169 : memref<80x128xf32, #tpu.memory_space<vmem_shared>>)
    %add3A_174 = arith.constant 240 : i32
    %add3A_175 = arith.addi %mul3A_10, %add3A_174 : i32
    %dma_wait3A_176 = arith.constant 0 : i32
    %dma_wait3A_177 = arith.constant 0 : i32
    %dma_wait3A_178 = arith.constant 0 : i32
    %dma_wait3A_179 = tpu.memref_slice %arg12[%dma_wait3A_176, %dma_wait3A_177, %dma_wait3A_178] : memref<3x80x128xf32, #tpu.memory_space<vmem>> -> memref<1x80x128xf32, #tpu.memory_space<vmem>>
    %dma_wait3A_180 = tpu.memref_squeeze %dma_wait3A_179 : memref<1x80x128xf32, #tpu.memory_space<vmem>> -> memref<80x128xf32, #tpu.memory_space<vmem>>
    %dma_wait3A_181 = arith.constant 0 : i32
    %dma_wait3A_182 = tpu.memref_slice %arg13[%add3A_175, %dma_wait3A_181] : memref<10240x128xf32, #tpu.memory_space<vmem_shared>> -> memref<80x128xf32, #tpu.memory_space<vmem_shared>>
    %dma_wait3A_183 = arith.constant 0 : i32
    %dma_wait3A_184 = tpu.memref_slice %arg13[%add3A_175, %dma_wait3A_183] : memref<10240x128xf32, #tpu.memory_space<vmem_shared>> -> memref<80x128xf32, #tpu.memory_space<vmem_shared>>
    %dma_wait3A_185 = arith.constant 0 : i32
    %dma_wait3A_186 = arith.constant 0 : i32
    %dma_wait3A_187 = tpu.memref_slice %arg12[%dma_wait3A_176, %dma_wait3A_185, %dma_wait3A_186] : memref<3x80x128xf32, #tpu.memory_space<vmem>> -> memref<1x80x128xf32, #tpu.memory_space<vmem>>
    %dma_wait3A_188 = tpu.memref_squeeze %dma_wait3A_187 : memref<1x80x128xf32, #tpu.memory_space<vmem>> -> memref<80x128xf32, #tpu.memory_space<vmem>>
    tpu.wait_dma2 semaphore(%arg16 : memref<!tpu.dma_semaphore, #tpu.memory_space<semaphore_mem>>) src(%dma_wait3A_188 : memref<80x128xf32, #tpu.memory_space<vmem>>) dst(%dma_wait3A_184 : memref<80x128xf32, #tpu.memory_space<vmem_shared>>)
    %add3A_189 = arith.constant 320 : i32
    %add3A_190 = arith.addi %mul3A_10, %add3A_189 : i32
    %dma_wait3A_191 = arith.constant 0 : i32
    %dma_wait3A_192 = arith.constant 0 : i32
    %dma_wait3A_193 = arith.constant 0 : i32
    %dma_wait3A_194 = tpu.memref_slice %arg12[%dma_wait3A_191, %dma_wait3A_192, %dma_wait3A_193] : memref<3x80x128xf32, #tpu.memory_space<vmem>> -> memref<1x80x128xf32, #tpu.memory_space<vmem>>
    %dma_wait3A_195 = tpu.memref_squeeze %dma_wait3A_194 : memref<1x80x128xf32, #tpu.memory_space<vmem>> -> memref<80x128xf32, #tpu.memory_space<vmem>>
    %dma_wait3A_196 = arith.constant 0 : i32
    %dma_wait3A_197 = tpu.memref_slice %arg13[%add3A_190, %dma_wait3A_196] : memref<10240x128xf32, #tpu.memory_space<vmem_shared>> -> memref<80x128xf32, #tpu.memory_space<vmem_shared>>
    %dma_wait3A_198 = arith.constant 0 : i32
    %dma_wait3A_199 = tpu.memref_slice %arg13[%add3A_190, %dma_wait3A_198] : memref<10240x128xf32, #tpu.memory_space<vmem_shared>> -> memref<80x128xf32, #tpu.memory_space<vmem_shared>>
    %dma_wait3A_200 = arith.constant 0 : i32
    %dma_wait3A_201 = arith.constant 0 : i32
    %dma_wait3A_202 = tpu.memref_slice %arg12[%dma_wait3A_191, %dma_wait3A_200, %dma_wait3A_201] : memref<3x80x128xf32, #tpu.memory_space<vmem>> -> memref<1x80x128xf32, #tpu.memory_space<vmem>>
    %dma_wait3A_203 = tpu.memref_squeeze %dma_wait3A_202 : memref<1x80x128xf32, #tpu.memory_space<vmem>> -> memref<80x128xf32, #tpu.memory_space<vmem>>
    tpu.wait_dma2 semaphore(%arg16 : memref<!tpu.dma_semaphore, #tpu.memory_space<semaphore_mem>>) src(%dma_wait3A_203 : memref<80x128xf32, #tpu.memory_space<vmem>>) dst(%dma_wait3A_199 : memref<80x128xf32, #tpu.memory_space<vmem_shared>>)
    %add3A_204 = arith.constant 400 : i32
    %add3A_205 = arith.addi %mul3A_10, %add3A_204 : i32
    %dma_wait3A_206 = arith.constant 0 : i32
    %dma_wait3A_207 = arith.constant 0 : i32
    %dma_wait3A_208 = arith.constant 0 : i32
    %dma_wait3A_209 = tpu.memref_slice %arg12[%dma_wait3A_206, %dma_wait3A_207, %dma_wait3A_208] : memref<3x80x128xf32, #tpu.memory_space<vmem>> -> memref<1x80x128xf32, #tpu.memory_space<vmem>>
    %dma_wait3A_210 = tpu.memref_squeeze %dma_wait3A_209 : memref<1x80x128xf32, #tpu.memory_space<vmem>> -> memref<80x128xf32, #tpu.memory_space<vmem>>
    %dma_wait3A_211 = arith.constant 0 : i32
    %dma_wait3A_212 = tpu.memref_slice %arg13[%add3A_205, %dma_wait3A_211] : memref<10240x128xf32, #tpu.memory_space<vmem_shared>> -> memref<80x128xf32, #tpu.memory_space<vmem_shared>>
    %dma_wait3A_213 = arith.constant 0 : i32
    %dma_wait3A_214 = tpu.memref_slice %arg13[%add3A_205, %dma_wait3A_213] : memref<10240x128xf32, #tpu.memory_space<vmem_shared>> -> memref<80x128xf32, #tpu.memory_space<vmem_shared>>
    %dma_wait3A_215 = arith.constant 0 : i32
    %dma_wait3A_216 = arith.constant 0 : i32
    %dma_wait3A_217 = tpu.memref_slice %arg12[%dma_wait3A_206, %dma_wait3A_215, %dma_wait3A_216] : memref<3x80x128xf32, #tpu.memory_space<vmem>> -> memref<1x80x128xf32, #tpu.memory_space<vmem>>
    %dma_wait3A_218 = tpu.memref_squeeze %dma_wait3A_217 : memref<1x80x128xf32, #tpu.memory_space<vmem>> -> memref<80x128xf32, #tpu.memory_space<vmem>>
    tpu.wait_dma2 semaphore(%arg16 : memref<!tpu.dma_semaphore, #tpu.memory_space<semaphore_mem>>) src(%dma_wait3A_218 : memref<80x128xf32, #tpu.memory_space<vmem>>) dst(%dma_wait3A_214 : memref<80x128xf32, #tpu.memory_space<vmem_shared>>)
    %add3A_219 = arith.constant 480 : i32
    %add3A_220 = arith.addi %mul3A_10, %add3A_219 : i32
    %dma_wait3A_221 = arith.constant 0 : i32
    %dma_wait3A_222 = arith.constant 0 : i32
    %dma_wait3A_223 = arith.constant 0 : i32
    %dma_wait3A_224 = tpu.memref_slice %arg12[%dma_wait3A_221, %dma_wait3A_222, %dma_wait3A_223] : memref<3x80x128xf32, #tpu.memory_space<vmem>> -> memref<1x80x128xf32, #tpu.memory_space<vmem>>
    %dma_wait3A_225 = tpu.memref_squeeze %dma_wait3A_224 : memref<1x80x128xf32, #tpu.memory_space<vmem>> -> memref<80x128xf32, #tpu.memory_space<vmem>>
    %dma_wait3A_226 = arith.constant 0 : i32
    %dma_wait3A_227 = tpu.memref_slice %arg13[%add3A_220, %dma_wait3A_226] : memref<10240x128xf32, #tpu.memory_space<vmem_shared>> -> memref<80x128xf32, #tpu.memory_space<vmem_shared>>
    %dma_wait3A_228 = arith.constant 0 : i32
    %dma_wait3A_229 = tpu.memref_slice %arg13[%add3A_220, %dma_wait3A_228] : memref<10240x128xf32, #tpu.memory_space<vmem_shared>> -> memref<80x128xf32, #tpu.memory_space<vmem_shared>>
    %dma_wait3A_230 = arith.constant 0 : i32
    %dma_wait3A_231 = arith.constant 0 : i32
    %dma_wait3A_232 = tpu.memref_slice %arg12[%dma_wait3A_221, %dma_wait3A_230, %dma_wait3A_231] : memref<3x80x128xf32, #tpu.memory_space<vmem>> -> memref<1x80x128xf32, #tpu.memory_space<vmem>>
    %dma_wait3A_233 = tpu.memref_squeeze %dma_wait3A_232 : memref<1x80x128xf32, #tpu.memory_space<vmem>> -> memref<80x128xf32, #tpu.memory_space<vmem>>
    tpu.wait_dma2 semaphore(%arg16 : memref<!tpu.dma_semaphore, #tpu.memory_space<semaphore_mem>>) src(%dma_wait3A_233 : memref<80x128xf32, #tpu.memory_space<vmem>>) dst(%dma_wait3A_229 : memref<80x128xf32, #tpu.memory_space<vmem_shared>>)
    %add3A_234 = arith.constant 560 : i32
    %add3A_235 = arith.addi %mul3A_10, %add3A_234 : i32
    %dma_wait3A_236 = arith.constant 0 : i32
    %dma_wait3A_237 = arith.constant 0 : i32
    %dma_wait3A_238 = arith.constant 0 : i32
    %dma_wait3A_239 = tpu.memref_slice %arg12[%dma_wait3A_236, %dma_wait3A_237, %dma_wait3A_238] : memref<3x80x128xf32, #tpu.memory_space<vmem>> -> memref<1x80x128xf32, #tpu.memory_space<vmem>>
    %dma_wait3A_240 = tpu.memref_squeeze %dma_wait3A_239 : memref<1x80x128xf32, #tpu.memory_space<vmem>> -> memref<80x128xf32, #tpu.memory_space<vmem>>
    %dma_wait3A_241 = arith.constant 0 : i32
    %dma_wait3A_242 = tpu.memref_slice %arg13[%add3A_235, %dma_wait3A_241] : memref<10240x128xf32, #tpu.memory_space<vmem_shared>> -> memref<80x128xf32, #tpu.memory_space<vmem_shared>>
    %dma_wait3A_243 = arith.constant 0 : i32
    %dma_wait3A_244 = tpu.memref_slice %arg13[%add3A_235, %dma_wait3A_243] : memref<10240x128xf32, #tpu.memory_space<vmem_shared>> -> memref<80x128xf32, #tpu.memory_space<vmem_shared>>
    %dma_wait3A_245 = arith.constant 0 : i32
    %dma_wait3A_246 = arith.constant 0 : i32
    %dma_wait3A_247 = tpu.memref_slice %arg12[%dma_wait3A_236, %dma_wait3A_245, %dma_wait3A_246] : memref<3x80x128xf32, #tpu.memory_space<vmem>> -> memref<1x80x128xf32, #tpu.memory_space<vmem>>
    %dma_wait3A_248 = tpu.memref_squeeze %dma_wait3A_247 : memref<1x80x128xf32, #tpu.memory_space<vmem>> -> memref<80x128xf32, #tpu.memory_space<vmem>>
    tpu.wait_dma2 semaphore(%arg16 : memref<!tpu.dma_semaphore, #tpu.memory_space<semaphore_mem>>) src(%dma_wait3A_248 : memref<80x128xf32, #tpu.memory_space<vmem>>) dst(%dma_wait3A_244 : memref<80x128xf32, #tpu.memory_space<vmem_shared>>)
    %barrier3A = arith.constant 0 : index
    tpu.barrier barrier_id(%barrier3A)
    %rem3A = arith.constant 0 : i32
    %rem3A_249 = arith.constant 2 : i32
    %rem3A_250 = arith.remsi %rem3A, %rem3A_249 : i32
    %dma_start3A_251 = arith.constant 0 : i32
    %dma_start3A_252 = arith.constant 0 : i32
    %dma_start3A_253 = arith.constant 0 : i32
    %dma_start3A_254 = tpu.memref_slice %arg8[%rem3A_250, %dma_start3A_252, %dma_start3A_253] : memref<2x5x80xi32, #tpu.memory_space<vmem>> -> memref<1x5x80xi32, #tpu.memory_space<vmem>>
    %dma_start3A_255 = tpu.memref_squeeze %dma_start3A_254 : memref<1x5x80xi32, #tpu.memory_space<vmem>> -> memref<5x80xi32, #tpu.memory_space<vmem>>
    %dma_start3A_256 = arith.constant 0 : i32
    %dma_start3A_257 = arith.constant 0 : i32
    %dma_start3A_258 = tpu.memref_slice %arg4[%add3A, %dma_start3A_251, %dma_start3A_256, %dma_start3A_257] : memref<32x25x5x80xi32, #tpu.memory_space<hbm>> -> memref<1x1x5x80xi32, #tpu.memory_space<hbm>>
    %dma_start3A_259 = tpu.memref_squeeze %dma_start3A_258 : memref<1x1x5x80xi32, #tpu.memory_space<hbm>> -> memref<5x80xi32, #tpu.memory_space<hbm>>
    %dma_start3A_260 = arith.constant 0 : i32
    %dma_start3A_261 = arith.constant 0 : i32
    %dma_start3A_262 = tpu.memref_slice %arg8[%rem3A_250, %dma_start3A_260, %dma_start3A_261] : memref<2x5x80xi32, #tpu.memory_space<vmem>> -> memref<1x5x80xi32, #tpu.memory_space<vmem>>
    %dma_start3A_263 = tpu.memref_squeeze %dma_start3A_262 : memref<1x5x80xi32, #tpu.memory_space<vmem>> -> memref<5x80xi32, #tpu.memory_space<vmem>>
    %dma_start3A_264 = arith.constant 0 : i32
    %dma_start3A_265 = arith.constant 0 : i32
    %dma_start3A_266 = tpu.memref_slice %arg4[%add3A, %dma_start3A_251, %dma_start3A_264, %dma_start3A_265] : memref<32x25x5x80xi32, #tpu.memory_space<hbm>> -> memref<1x1x5x80xi32, #tpu.memory_space<hbm>>
    %dma_start3A_267 = tpu.memref_squeeze %dma_start3A_266 : memref<1x1x5x80xi32, #tpu.memory_space<hbm>> -> memref<5x80xi32, #tpu.memory_space<hbm>>
    tpu.enqueue_dma source(%dma_start3A_267 : memref<5x80xi32, #tpu.memory_space<hbm>>) target(%dma_start3A_263 : memref<5x80xi32, #tpu.memory_space<vmem>>) target_semaphore(%arg17 : memref<!tpu.dma_semaphore, #tpu.memory_space<semaphore_mem>>)
    %dma_start3A_268 = arith.constant 0 : i32
    %dma_start3A_269 = arith.constant 0 : i32
    %dma_start3A_270 = arith.constant 0 : i32
    %dma_start3A_271 = tpu.memref_slice %arg9[%rem3A_250, %dma_start3A_269, %dma_start3A_270] : memref<2x5x80xi32, #tpu.memory_space<vmem>> -> memref<1x5x80xi32, #tpu.memory_space<vmem>>
    %dma_start3A_272 = tpu.memref_squeeze %dma_start3A_271 : memref<1x5x80xi32, #tpu.memory_space<vmem>> -> memref<5x80xi32, #tpu.memory_space<vmem>>
    %dma_start3A_273 = arith.constant 0 : i32
    %dma_start3A_274 = arith.constant 0 : i32
    %dma_start3A_275 = tpu.memref_slice %arg5[%add3A, %dma_start3A_268, %dma_start3A_273, %dma_start3A_274] : memref<32x25x5x80xi32, #tpu.memory_space<hbm>> -> memref<1x1x5x80xi32, #tpu.memory_space<hbm>>
    %dma_start3A_276 = tpu.memref_squeeze %dma_start3A_275 : memref<1x1x5x80xi32, #tpu.memory_space<hbm>> -> memref<5x80xi32, #tpu.memory_space<hbm>>
    %dma_start3A_277 = arith.constant 0 : i32
    %dma_start3A_278 = arith.constant 0 : i32
    %dma_start3A_279 = tpu.memref_slice %arg9[%rem3A_250, %dma_start3A_277, %dma_start3A_278] : memref<2x5x80xi32, #tpu.memory_space<vmem>> -> memref<1x5x80xi32, #tpu.memory_space<vmem>>
    %dma_start3A_280 = tpu.memref_squeeze %dma_start3A_279 : memref<1x5x80xi32, #tpu.memory_space<vmem>> -> memref<5x80xi32, #tpu.memory_space<vmem>>
    %dma_start3A_281 = arith.constant 0 : i32
    %dma_start3A_282 = arith.constant 0 : i32
    %dma_start3A_283 = tpu.memref_slice %arg5[%add3A, %dma_start3A_268, %dma_start3A_281, %dma_start3A_282] : memref<32x25x5x80xi32, #tpu.memory_space<hbm>> -> memref<1x1x5x80xi32, #tpu.memory_space<hbm>>
    %dma_start3A_284 = tpu.memref_squeeze %dma_start3A_283 : memref<1x1x5x80xi32, #tpu.memory_space<hbm>> -> memref<5x80xi32, #tpu.memory_space<hbm>>
    tpu.enqueue_dma source(%dma_start3A_284 : memref<5x80xi32, #tpu.memory_space<hbm>>) target(%dma_start3A_280 : memref<5x80xi32, #tpu.memory_space<vmem>>) target_semaphore(%arg17 : memref<!tpu.dma_semaphore, #tpu.memory_space<semaphore_mem>>)
    %dma_start3A_285 = arith.constant 0 : i32
    %dma_start3A_286 = arith.constant 0 : i32
    %dma_start3A_287 = arith.constant 0 : i32
    %dma_start3A_288 = tpu.memref_slice %arg10[%rem3A_250, %dma_start3A_286, %dma_start3A_287] : memref<2x5x80xi32, #tpu.memory_space<vmem>> -> memref<1x5x80xi32, #tpu.memory_space<vmem>>
    %dma_start3A_289 = tpu.memref_squeeze %dma_start3A_288 : memref<1x5x80xi32, #tpu.memory_space<vmem>> -> memref<5x80xi32, #tpu.memory_space<vmem>>
    %dma_start3A_290 = arith.constant 0 : i32
    %dma_start3A_291 = arith.constant 0 : i32
    %dma_start3A_292 = tpu.memref_slice %arg6[%add3A, %dma_start3A_285, %dma_start3A_290, %dma_start3A_291] : memref<32x25x5x80xi32, #tpu.memory_space<hbm>> -> memref<1x1x5x80xi32, #tpu.memory_space<hbm>>
    %dma_start3A_293 = tpu.memref_squeeze %dma_start3A_292 : memref<1x1x5x80xi32, #tpu.memory_space<hbm>> -> memref<5x80xi32, #tpu.memory_space<hbm>>
    %dma_start3A_294 = arith.constant 0 : i32
    %dma_start3A_295 = arith.constant 0 : i32
    %dma_start3A_296 = tpu.memref_slice %arg10[%rem3A_250, %dma_start3A_294, %dma_start3A_295] : memref<2x5x80xi32, #tpu.memory_space<vmem>> -> memref<1x5x80xi32, #tpu.memory_space<vmem>>
    %dma_start3A_297 = tpu.memref_squeeze %dma_start3A_296 : memref<1x5x80xi32, #tpu.memory_space<vmem>> -> memref<5x80xi32, #tpu.memory_space<vmem>>
    %dma_start3A_298 = arith.constant 0 : i32
    %dma_start3A_299 = arith.constant 0 : i32
    %dma_start3A_300 = tpu.memref_slice %arg6[%add3A, %dma_start3A_285, %dma_start3A_298, %dma_start3A_299] : memref<32x25x5x80xi32, #tpu.memory_space<hbm>> -> memref<1x1x5x80xi32, #tpu.memory_space<hbm>>
    %dma_start3A_301 = tpu.memref_squeeze %dma_start3A_300 : memref<1x1x5x80xi32, #tpu.memory_space<hbm>> -> memref<5x80xi32, #tpu.memory_space<hbm>>
    tpu.enqueue_dma source(%dma_start3A_301 : memref<5x80xi32, #tpu.memory_space<hbm>>) target(%dma_start3A_297 : memref<5x80xi32, #tpu.memory_space<vmem>>) target_semaphore(%arg17 : memref<!tpu.dma_semaphore, #tpu.memory_space<semaphore_mem>>)
    %rem3A_302 = arith.constant 0 : i32
    %rem3A_303 = arith.constant 2 : i32
    %rem3A_304 = arith.remsi %rem3A_302, %rem3A_303 : i32
    %dma_wait3A_305 = arith.constant 0 : i32
    %dma_wait3A_306 = arith.constant 0 : i32
    %dma_wait3A_307 = arith.constant 0 : i32
    %dma_wait3A_308 = tpu.memref_slice %arg8[%rem3A_304, %dma_wait3A_306, %dma_wait3A_307] : memref<2x5x80xi32, #tpu.memory_space<vmem>> -> memref<1x5x80xi32, #tpu.memory_space<vmem>>
    %dma_wait3A_309 = tpu.memref_squeeze %dma_wait3A_308 : memref<1x5x80xi32, #tpu.memory_space<vmem>> -> memref<5x80xi32, #tpu.memory_space<vmem>>
    %dma_wait3A_310 = arith.constant 0 : i32
    %dma_wait3A_311 = arith.constant 0 : i32
    %dma_wait3A_312 = tpu.memref_slice %arg4[%add3A, %dma_wait3A_305, %dma_wait3A_310, %dma_wait3A_311] : memref<32x25x5x80xi32, #tpu.memory_space<hbm>> -> memref<1x1x5x80xi32, #tpu.memory_space<hbm>>
    %dma_wait3A_313 = tpu.memref_squeeze %dma_wait3A_312 : memref<1x1x5x80xi32, #tpu.memory_space<hbm>> -> memref<5x80xi32, #tpu.memory_space<hbm>>
    %dma_wait3A_314 = arith.constant 0 : i32
    %dma_wait3A_315 = arith.constant 0 : i32
    %dma_wait3A_316 = tpu.memref_slice %arg8[%rem3A_304, %dma_wait3A_314, %dma_wait3A_315] : memref<2x5x80xi32, #tpu.memory_space<vmem>> -> memref<1x5x80xi32, #tpu.memory_space<vmem>>
    %dma_wait3A_317 = tpu.memref_squeeze %dma_wait3A_316 : memref<1x5x80xi32, #tpu.memory_space<vmem>> -> memref<5x80xi32, #tpu.memory_space<vmem>>
    %dma_wait3A_318 = arith.constant 0 : i32
    %dma_wait3A_319 = arith.constant 0 : i32
    %dma_wait3A_320 = tpu.memref_slice %arg4[%add3A, %dma_wait3A_305, %dma_wait3A_318, %dma_wait3A_319] : memref<32x25x5x80xi32, #tpu.memory_space<hbm>> -> memref<1x1x5x80xi32, #tpu.memory_space<hbm>>
    %dma_wait3A_321 = tpu.memref_squeeze %dma_wait3A_320 : memref<1x1x5x80xi32, #tpu.memory_space<hbm>> -> memref<5x80xi32, #tpu.memory_space<hbm>>
    tpu.wait_dma2 semaphore(%arg17 : memref<!tpu.dma_semaphore, #tpu.memory_space<semaphore_mem>>) src(%dma_wait3A_321 : memref<5x80xi32, #tpu.memory_space<hbm>>) dst(%dma_wait3A_317 : memref<5x80xi32, #tpu.memory_space<vmem>>)
    %dma_wait3A_322 = arith.constant 0 : i32
    %dma_wait3A_323 = arith.constant 0 : i32
    %dma_wait3A_324 = arith.constant 0 : i32
    %dma_wait3A_325 = tpu.memref_slice %arg9[%rem3A_304, %dma_wait3A_323, %dma_wait3A_324] : memref<2x5x80xi32, #tpu.memory_space<vmem>> -> memref<1x5x80xi32, #tpu.memory_space<vmem>>
    %dma_wait3A_326 = tpu.memref_squeeze %dma_wait3A_325 : memref<1x5x80xi32, #tpu.memory_space<vmem>> -> memref<5x80xi32, #tpu.memory_space<vmem>>
    %dma_wait3A_327 = arith.constant 0 : i32
    %dma_wait3A_328 = arith.constant 0 : i32
    %dma_wait3A_329 = tpu.memref_slice %arg5[%add3A, %dma_wait3A_322, %dma_wait3A_327, %dma_wait3A_328] : memref<32x25x5x80xi32, #tpu.memory_space<hbm>> -> memref<1x1x5x80xi32, #tpu.memory_space<hbm>>
    %dma_wait3A_330 = tpu.memref_squeeze %dma_wait3A_329 : memref<1x1x5x80xi32, #tpu.memory_space<hbm>> -> memref<5x80xi32, #tpu.memory_space<hbm>>
    %dma_wait3A_331 = arith.constant 0 : i32
    %dma_wait3A_332 = arith.constant 0 : i32
    %dma_wait3A_333 = tpu.memref_slice %arg9[%rem3A_304, %dma_wait3A_331, %dma_wait3A_332] : memref<2x5x80xi32, #tpu.memory_space<vmem>> -> memref<1x5x80xi32, #tpu.memory_space<vmem>>
    %dma_wait3A_334 = tpu.memref_squeeze %dma_wait3A_333 : memref<1x5x80xi32, #tpu.memory_space<vmem>> -> memref<5x80xi32, #tpu.memory_space<vmem>>
    %dma_wait3A_335 = arith.constant 0 : i32
    %dma_wait3A_336 = arith.constant 0 : i32
    %dma_wait3A_337 = tpu.memref_slice %arg5[%add3A, %dma_wait3A_322, %dma_wait3A_335, %dma_wait3A_336] : memref<32x25x5x80xi32, #tpu.memory_space<hbm>> -> memref<1x1x5x80xi32, #tpu.memory_space<hbm>>
    %dma_wait3A_338 = tpu.memref_squeeze %dma_wait3A_337 : memref<1x1x5x80xi32, #tpu.memory_space<hbm>> -> memref<5x80xi32, #tpu.memory_space<hbm>>
    tpu.wait_dma2 semaphore(%arg17 : memref<!tpu.dma_semaphore, #tpu.memory_space<semaphore_mem>>) src(%dma_wait3A_338 : memref<5x80xi32, #tpu.memory_space<hbm>>) dst(%dma_wait3A_334 : memref<5x80xi32, #tpu.memory_space<vmem>>)
    %dma_wait3A_339 = arith.constant 0 : i32
    %dma_wait3A_340 = arith.constant 0 : i32
    %dma_wait3A_341 = arith.constant 0 : i32
    %dma_wait3A_342 = tpu.memref_slice %arg10[%rem3A_304, %dma_wait3A_340, %dma_wait3A_341] : memref<2x5x80xi32, #tpu.memory_space<vmem>> -> memref<1x5x80xi32, #tpu.memory_space<vmem>>
    %dma_wait3A_343 = tpu.memref_squeeze %dma_wait3A_342 : memref<1x5x80xi32, #tpu.memory_space<vmem>> -> memref<5x80xi32, #tpu.memory_space<vmem>>
    %dma_wait3A_344 = arith.constant 0 : i32
    %dma_wait3A_345 = arith.constant 0 : i32
    %dma_wait3A_346 = tpu.memref_slice %arg6[%add3A, %dma_wait3A_339, %dma_wait3A_344, %dma_wait3A_345] : memref<32x25x5x80xi32, #tpu.memory_space<hbm>> -> memref<1x1x5x80xi32, #tpu.memory_space<hbm>>
    %dma_wait3A_347 = tpu.memref_squeeze %dma_wait3A_346 : memref<1x1x5x80xi32, #tpu.memory_space<hbm>> -> memref<5x80xi32, #tpu.memory_space<hbm>>
    %dma_wait3A_348 = arith.constant 0 : i32
    %dma_wait3A_349 = arith.constant 0 : i32
    %dma_wait3A_350 = tpu.memref_slice %arg10[%rem3A_304, %dma_wait3A_348, %dma_wait3A_349] : memref<2x5x80xi32, #tpu.memory_space<vmem>> -> memref<1x5x80xi32, #tpu.memory_space<vmem>>
    %dma_wait3A_351 = tpu.memref_squeeze %dma_wait3A_350 : memref<1x5x80xi32, #tpu.memory_space<vmem>> -> memref<5x80xi32, #tpu.memory_space<vmem>>
    %dma_wait3A_352 = arith.constant 0 : i32
    %dma_wait3A_353 = arith.constant 0 : i32
    %dma_wait3A_354 = tpu.memref_slice %arg6[%add3A, %dma_wait3A_339, %dma_wait3A_352, %dma_wait3A_353] : memref<32x25x5x80xi32, #tpu.memory_space<hbm>> -> memref<1x1x5x80xi32, #tpu.memory_space<hbm>>
    %dma_wait3A_355 = tpu.memref_squeeze %dma_wait3A_354 : memref<1x1x5x80xi32, #tpu.memory_space<hbm>> -> memref<5x80xi32, #tpu.memory_space<hbm>>
    tpu.wait_dma2 semaphore(%arg17 : memref<!tpu.dma_semaphore, #tpu.memory_space<semaphore_mem>>) src(%dma_wait3A_355 : memref<5x80xi32, #tpu.memory_space<hbm>>) dst(%dma_wait3A_351 : memref<5x80xi32, #tpu.memory_space<vmem>>)
    %div3A = arith.constant 0 : i32
    %div3A_356 = arith.constant 5 : i32
    %div3A_357 = arith.divsi %div3A, %div3A_356 : i32
    %rem3A_358 = arith.constant 2 : i32
    %rem3A_359 = arith.remsi %div3A_357, %rem3A_358 : i32
    %rem3A_360 = arith.constant 0 : i32
    %rem3A_361 = arith.constant 5 : i32
    %rem3A_362 = arith.remsi %rem3A_360, %rem3A_361 : i32
    %rem3A_363 = arith.constant 0 : i32
    %rem3A_364 = arith.constant 3 : i32
    %rem3A_365 = arith.remsi %rem3A_363, %rem3A_364 : i32
    %dma_start3A_366 = arith.constant 0 : i32
    %dma_start3A_367 = arith.constant 0 : i32
    %dma_start3A_368 = tpu.memref_slice %arg12[%rem3A_365, %dma_start3A_366, %dma_start3A_367] : memref<3x80x128xf32, #tpu.memory_space<vmem>> -> memref<1x80x128xf32, #tpu.memory_space<vmem>>
    %dma_start3A_369 = tpu.memref_squeeze %dma_start3A_368 : memref<1x80x128xf32, #tpu.memory_space<vmem>> -> memref<80x128xf32, #tpu.memory_space<vmem>>
    %dma_start3A_370 = arith.constant 0 : i32
    %dma_start3A_371 = tpu.memref_slice %arg8[%rem3A_359, %rem3A_362, %dma_start3A_370] : memref<2x5x80xi32, #tpu.memory_space<vmem>> -> memref<1x1x80xi32, #tpu.memory_space<vmem>>
    %dma_start3A_372 = tpu.memref_squeeze %dma_start3A_371 : memref<1x1x80xi32, #tpu.memory_space<vmem>> -> memref<80xi32, #tpu.memory_space<vmem>>
    %dma_start3A_373 = arith.constant 0 : i32
    %dma_start3A_374 = arith.constant 0 : i32
    %dma_start3A_375 = tpu.memref_slice %arg2[%dma_start3A_373, %dma_start3A_374] : memref<10000x128xf32, #tpu.memory_space<hbm>> -> memref<10000x128xf32, #tpu.memory_space<hbm>>
    tpu.enqueue_indirect_dma source(%dma_start3A_375 : memref<10000x128xf32, #tpu.memory_space<hbm>>) target(%dma_start3A_369 : memref<80x128xf32, #tpu.memory_space<vmem>>) offsets(%dma_start3A_372 : memref<80xi32, #tpu.memory_space<vmem>>) semaphore(%arg14 : memref<!tpu.dma_semaphore, #tpu.memory_space<semaphore_mem>>)
    %scan3A_376 = arith.constant 0 : i32
    %scan3A_377 = arith.constant 0 : i32
    %scan3A_378 = arith.constant 127 : i32
    %scan3A_379 = arith.addi %scan3A_377, %scan3A_378 : i32
    %scan3A_380 = arith.constant 1 : i32
    scf.for %scan3A_453 = %scan3A_377 to %scan3A_379 step %scan3A_380  : i32 {
      %rem3A_454 = arith.constant 5 : i32
      %rem3A_455 = arith.remsi %scan3A_453, %rem3A_454 : i32
      %eq3A_456 = arith.constant 2 : i32
      %eq3A_457 = arith.cmpi eq, %rem3A_455, %eq3A_456 : i32
      %div3A_458 = arith.constant 5 : i32
      %div3A_459 = arith.divsi %scan3A_453, %div3A_458 : i32
      %le3A = arith.constant 23 : i32
      %le3A_460 = arith.cmpi sle, %div3A_459, %le3A : i32
      %and3A = arith.andi %eq3A_457, %le3A_460 : i1
      %convert_element_type3A_461 = arith.extui %and3A : i1 to i32
      %cond3A_462 = arith.constant 0 : i32
      %cond3A_463 = arith.cmpi ne, %convert_element_type3A_461, %cond3A_462 : i32
      scf.if %cond3A_463 {
        %div3A_502 = arith.constant 5 : i32
        %div3A_503 = arith.divsi %scan3A_453, %div3A_502 : i32
        %add3A_504 = arith.constant 1 : i32
        %add3A_505 = arith.addi %div3A_503, %add3A_504 : i32
        %rem3A_506 = arith.constant 2 : i32
        %rem3A_507 = arith.remsi %add3A_505, %rem3A_506 : i32
        %dma_start3A_508 = arith.constant 0 : i32
        %dma_start3A_509 = arith.constant 0 : i32
        %dma_start3A_510 = tpu.memref_slice %arg8[%rem3A_507, %dma_start3A_508, %dma_start3A_509] : memref<2x5x80xi32, #tpu.memory_space<vmem>> -> memref<1x5x80xi32, #tpu.memory_space<vmem>>
        %dma_start3A_511 = tpu.memref_squeeze %dma_start3A_510 : memref<1x5x80xi32, #tpu.memory_space<vmem>> -> memref<5x80xi32, #tpu.memory_space<vmem>>
        %dma_start3A_512 = arith.constant 0 : i32
        %dma_start3A_513 = arith.constant 0 : i32
        %dma_start3A_514 = tpu.memref_slice %arg4[%add3A, %add3A_505, %dma_start3A_512, %dma_start3A_513] : memref<32x25x5x80xi32, #tpu.memory_space<hbm>> -> memref<1x1x5x80xi32, #tpu.memory_space<hbm>>
        %dma_start3A_515 = tpu.memref_squeeze %dma_start3A_514 : memref<1x1x5x80xi32, #tpu.memory_space<hbm>> -> memref<5x80xi32, #tpu.memory_space<hbm>>
        %dma_start3A_516 = arith.constant 0 : i32
        %dma_start3A_517 = arith.constant 0 : i32
        %dma_start3A_518 = tpu.memref_slice %arg8[%rem3A_507, %dma_start3A_516, %dma_start3A_517] : memref<2x5x80xi32, #tpu.memory_space<vmem>> -> memref<1x5x80xi32, #tpu.memory_space<vmem>>
        %dma_start3A_519 = tpu.memref_squeeze %dma_start3A_518 : memref<1x5x80xi32, #tpu.memory_space<vmem>> -> memref<5x80xi32, #tpu.memory_space<vmem>>
        %dma_start3A_520 = arith.constant 0 : i32
        %dma_start3A_521 = arith.constant 0 : i32
        %dma_start3A_522 = tpu.memref_slice %arg4[%add3A, %add3A_505, %dma_start3A_520, %dma_start3A_521] : memref<32x25x5x80xi32, #tpu.memory_space<hbm>> -> memref<1x1x5x80xi32, #tpu.memory_space<hbm>>
        %dma_start3A_523 = tpu.memref_squeeze %dma_start3A_522 : memref<1x1x5x80xi32, #tpu.memory_space<hbm>> -> memref<5x80xi32, #tpu.memory_space<hbm>>
        tpu.enqueue_dma source(%dma_start3A_523 : memref<5x80xi32, #tpu.memory_space<hbm>>) target(%dma_start3A_519 : memref<5x80xi32, #tpu.memory_space<vmem>>) target_semaphore(%arg17 : memref<!tpu.dma_semaphore, #tpu.memory_space<semaphore_mem>>)
        %dma_start3A_524 = arith.constant 0 : i32
        %dma_start3A_525 = arith.constant 0 : i32
        %dma_start3A_526 = tpu.memref_slice %arg9[%rem3A_507, %dma_start3A_524, %dma_start3A_525] : memref<2x5x80xi32, #tpu.memory_space<vmem>> -> memref<1x5x80xi32, #tpu.memory_space<vmem>>
        %dma_start3A_527 = tpu.memref_squeeze %dma_start3A_526 : memref<1x5x80xi32, #tpu.memory_space<vmem>> -> memref<5x80xi32, #tpu.memory_space<vmem>>
        %dma_start3A_528 = arith.constant 0 : i32
        %dma_start3A_529 = arith.constant 0 : i32
        %dma_start3A_530 = tpu.memref_slice %arg5[%add3A, %add3A_505, %dma_start3A_528, %dma_start3A_529] : memref<32x25x5x80xi32, #tpu.memory_space<hbm>> -> memref<1x1x5x80xi32, #tpu.memory_space<hbm>>
        %dma_start3A_531 = tpu.memref_squeeze %dma_start3A_530 : memref<1x1x5x80xi32, #tpu.memory_space<hbm>> -> memref<5x80xi32, #tpu.memory_space<hbm>>
        %dma_start3A_532 = arith.constant 0 : i32
        %dma_start3A_533 = arith.constant 0 : i32
        %dma_start3A_534 = tpu.memref_slice %arg9[%rem3A_507, %dma_start3A_532, %dma_start3A_533] : memref<2x5x80xi32, #tpu.memory_space<vmem>> -> memref<1x5x80xi32, #tpu.memory_space<vmem>>
        %dma_start3A_535 = tpu.memref_squeeze %dma_start3A_534 : memref<1x5x80xi32, #tpu.memory_space<vmem>> -> memref<5x80xi32, #tpu.memory_space<vmem>>
        %dma_start3A_536 = arith.constant 0 : i32
        %dma_start3A_537 = arith.constant 0 : i32
        %dma_start3A_538 = tpu.memref_slice %arg5[%add3A, %add3A_505, %dma_start3A_536, %dma_start3A_537] : memref<32x25x5x80xi32, #tpu.memory_space<hbm>> -> memref<1x1x5x80xi32, #tpu.memory_space<hbm>>
        %dma_start3A_539 = tpu.memref_squeeze %dma_start3A_538 : memref<1x1x5x80xi32, #tpu.memory_space<hbm>> -> memref<5x80xi32, #tpu.memory_space<hbm>>
        tpu.enqueue_dma source(%dma_start3A_539 : memref<5x80xi32, #tpu.memory_space<hbm>>) target(%dma_start3A_535 : memref<5x80xi32, #tpu.memory_space<vmem>>) target_semaphore(%arg17 : memref<!tpu.dma_semaphore, #tpu.memory_space<semaphore_mem>>)
        %dma_start3A_540 = arith.constant 0 : i32
        %dma_start3A_541 = arith.constant 0 : i32
        %dma_start3A_542 = tpu.memref_slice %arg10[%rem3A_507, %dma_start3A_540, %dma_start3A_541] : memref<2x5x80xi32, #tpu.memory_space<vmem>> -> memref<1x5x80xi32, #tpu.memory_space<vmem>>
        %dma_start3A_543 = tpu.memref_squeeze %dma_start3A_542 : memref<1x5x80xi32, #tpu.memory_space<vmem>> -> memref<5x80xi32, #tpu.memory_space<vmem>>
        %dma_start3A_544 = arith.constant 0 : i32
        %dma_start3A_545 = arith.constant 0 : i32
        %dma_start3A_546 = tpu.memref_slice %arg6[%add3A, %add3A_505, %dma_start3A_544, %dma_start3A_545] : memref<32x25x5x80xi32, #tpu.memory_space<hbm>> -> memref<1x1x5x80xi32, #tpu.memory_space<hbm>>
        %dma_start3A_547 = tpu.memref_squeeze %dma_start3A_546 : memref<1x1x5x80xi32, #tpu.memory_space<hbm>> -> memref<5x80xi32, #tpu.memory_space<hbm>>
        %dma_start3A_548 = arith.constant 0 : i32
        %dma_start3A_549 = arith.constant 0 : i32
        %dma_start3A_550 = tpu.memref_slice %arg10[%rem3A_507, %dma_start3A_548, %dma_start3A_549] : memref<2x5x80xi32, #tpu.memory_space<vmem>> -> memref<1x5x80xi32, #tpu.memory_space<vmem>>
        %dma_start3A_551 = tpu.memref_squeeze %dma_start3A_550 : memref<1x5x80xi32, #tpu.memory_space<vmem>> -> memref<5x80xi32, #tpu.memory_space<vmem>>
        %dma_start3A_552 = arith.constant 0 : i32
        %dma_start3A_553 = arith.constant 0 : i32
        %dma_start3A_554 = tpu.memref_slice %arg6[%add3A, %add3A_505, %dma_start3A_552, %dma_start3A_553] : memref<32x25x5x80xi32, #tpu.memory_space<hbm>> -> memref<1x1x5x80xi32, #tpu.memory_space<hbm>>
        %dma_start3A_555 = tpu.memref_squeeze %dma_start3A_554 : memref<1x1x5x80xi32, #tpu.memory_space<hbm>> -> memref<5x80xi32, #tpu.memory_space<hbm>>
        tpu.enqueue_dma source(%dma_start3A_555 : memref<5x80xi32, #tpu.memory_space<hbm>>) target(%dma_start3A_551 : memref<5x80xi32, #tpu.memory_space<vmem>>) target_semaphore(%arg17 : memref<!tpu.dma_semaphore, #tpu.memory_space<semaphore_mem>>)
      } else {
      }
      %rem3A_464 = arith.constant 5 : i32
      %rem3A_465 = arith.remsi %scan3A_453, %rem3A_464 : i32
      %eq3A_466 = arith.constant 0 : i32
      %eq3A_467 = arith.cmpi eq, %rem3A_465, %eq3A_466 : i32
      %ge3A = arith.constant 5 : i32
      %ge3A_468 = arith.cmpi sge, %scan3A_453, %ge3A : i32
      %le3A_469 = arith.constant 124 : i32
      %le3A_470 = arith.cmpi sle, %scan3A_453, %le3A_469 : i32
      %and3A_471 = arith.andi %ge3A_468, %le3A_470 : i1
      %and3A_472 = arith.andi %eq3A_467, %and3A_471 : i1
      %convert_element_type3A_473 = arith.extui %and3A_472 : i1 to i32
      %cond3A_474 = arith.constant 0 : i32
      %cond3A_475 = arith.cmpi ne, %convert_element_type3A_473, %cond3A_474 : i32
      scf.if %cond3A_475 {
        %div3A_502 = arith.constant 5 : i32
        %div3A_503 = arith.divsi %scan3A_453, %div3A_502 : i32
        %rem3A_504 = arith.constant 2 : i32
        %rem3A_505 = arith.remsi %div3A_503, %rem3A_504 : i32
        %dma_wait3A_506 = arith.constant 0 : i32
        %dma_wait3A_507 = arith.constant 0 : i32
        %dma_wait3A_508 = tpu.memref_slice %arg8[%rem3A_505, %dma_wait3A_506, %dma_wait3A_507] : memref<2x5x80xi32, #tpu.memory_space<vmem>> -> memref<1x5x80xi32, #tpu.memory_space<vmem>>
        %dma_wait3A_509 = tpu.memref_squeeze %dma_wait3A_508 : memref<1x5x80xi32, #tpu.memory_space<vmem>> -> memref<5x80xi32, #tpu.memory_space<vmem>>
        %dma_wait3A_510 = arith.constant 0 : i32
        %dma_wait3A_511 = arith.constant 0 : i32
        %dma_wait3A_512 = tpu.memref_slice %arg4[%add3A, %div3A_503, %dma_wait3A_510, %dma_wait3A_511] : memref<32x25x5x80xi32, #tpu.memory_space<hbm>> -> memref<1x1x5x80xi32, #tpu.memory_space<hbm>>
        %dma_wait3A_513 = tpu.memref_squeeze %dma_wait3A_512 : memref<1x1x5x80xi32, #tpu.memory_space<hbm>> -> memref<5x80xi32, #tpu.memory_space<hbm>>
        %dma_wait3A_514 = arith.constant 0 : i32
        %dma_wait3A_515 = arith.constant 0 : i32
        %dma_wait3A_516 = tpu.memref_slice %arg8[%rem3A_505, %dma_wait3A_514, %dma_wait3A_515] : memref<2x5x80xi32, #tpu.memory_space<vmem>> -> memref<1x5x80xi32, #tpu.memory_space<vmem>>
        %dma_wait3A_517 = tpu.memref_squeeze %dma_wait3A_516 : memref<1x5x80xi32, #tpu.memory_space<vmem>> -> memref<5x80xi32, #tpu.memory_space<vmem>>
        %dma_wait3A_518 = arith.constant 0 : i32
        %dma_wait3A_519 = arith.constant 0 : i32
        %dma_wait3A_520 = tpu.memref_slice %arg4[%add3A, %div3A_503, %dma_wait3A_518, %dma_wait3A_519] : memref<32x25x5x80xi32, #tpu.memory_space<hbm>> -> memref<1x1x5x80xi32, #tpu.memory_space<hbm>>
        %dma_wait3A_521 = tpu.memref_squeeze %dma_wait3A_520 : memref<1x1x5x80xi32, #tpu.memory_space<hbm>> -> memref<5x80xi32, #tpu.memory_space<hbm>>
        tpu.wait_dma2 semaphore(%arg17 : memref<!tpu.dma_semaphore, #tpu.memory_space<semaphore_mem>>) src(%dma_wait3A_521 : memref<5x80xi32, #tpu.memory_space<hbm>>) dst(%dma_wait3A_517 : memref<5x80xi32, #tpu.memory_space<vmem>>)
        %dma_wait3A_522 = arith.constant 0 : i32
        %dma_wait3A_523 = arith.constant 0 : i32
        %dma_wait3A_524 = tpu.memref_slice %arg9[%rem3A_505, %dma_wait3A_522, %dma_wait3A_523] : memref<2x5x80xi32, #tpu.memory_space<vmem>> -> memref<1x5x80xi32, #tpu.memory_space<vmem>>
        %dma_wait3A_525 = tpu.memref_squeeze %dma_wait3A_524 : memref<1x5x80xi32, #tpu.memory_space<vmem>> -> memref<5x80xi32, #tpu.memory_space<vmem>>
        %dma_wait3A_526 = arith.constant 0 : i32
        %dma_wait3A_527 = arith.constant 0 : i32
        %dma_wait3A_528 = tpu.memref_slice %arg5[%add3A, %div3A_503, %dma_wait3A_526, %dma_wait3A_527] : memref<32x25x5x80xi32, #tpu.memory_space<hbm>> -> memref<1x1x5x80xi32, #tpu.memory_space<hbm>>
        %dma_wait3A_529 = tpu.memref_squeeze %dma_wait3A_528 : memref<1x1x5x80xi32, #tpu.memory_space<hbm>> -> memref<5x80xi32, #tpu.memory_space<hbm>>
        %dma_wait3A_530 = arith.constant 0 : i32
        %dma_wait3A_531 = arith.constant 0 : i32
        %dma_wait3A_532 = tpu.memref_slice %arg9[%rem3A_505, %dma_wait3A_530, %dma_wait3A_531] : memref<2x5x80xi32, #tpu.memory_space<vmem>> -> memref<1x5x80xi32, #tpu.memory_space<vmem>>
        %dma_wait3A_533 = tpu.memref_squeeze %dma_wait3A_532 : memref<1x5x80xi32, #tpu.memory_space<vmem>> -> memref<5x80xi32, #tpu.memory_space<vmem>>
        %dma_wait3A_534 = arith.constant 0 : i32
        %dma_wait3A_535 = arith.constant 0 : i32
        %dma_wait3A_536 = tpu.memref_slice %arg5[%add3A, %div3A_503, %dma_wait3A_534, %dma_wait3A_535] : memref<32x25x5x80xi32, #tpu.memory_space<hbm>> -> memref<1x1x5x80xi32, #tpu.memory_space<hbm>>
        %dma_wait3A_537 = tpu.memref_squeeze %dma_wait3A_536 : memref<1x1x5x80xi32, #tpu.memory_space<hbm>> -> memref<5x80xi32, #tpu.memory_space<hbm>>
        tpu.wait_dma2 semaphore(%arg17 : memref<!tpu.dma_semaphore, #tpu.memory_space<semaphore_mem>>) src(%dma_wait3A_537 : memref<5x80xi32, #tpu.memory_space<hbm>>) dst(%dma_wait3A_533 : memref<5x80xi32, #tpu.memory_space<vmem>>)
        %dma_wait3A_538 = arith.constant 0 : i32
        %dma_wait3A_539 = arith.constant 0 : i32
        %dma_wait3A_540 = tpu.memref_slice %arg10[%rem3A_505, %dma_wait3A_538, %dma_wait3A_539] : memref<2x5x80xi32, #tpu.memory_space<vmem>> -> memref<1x5x80xi32, #tpu.memory_space<vmem>>
        %dma_wait3A_541 = tpu.memref_squeeze %dma_wait3A_540 : memref<1x5x80xi32, #tpu.memory_space<vmem>> -> memref<5x80xi32, #tpu.memory_space<vmem>>
        %dma_wait3A_542 = arith.constant 0 : i32
        %dma_wait3A_543 = arith.constant 0 : i32
        %dma_wait3A_544 = tpu.memref_slice %arg6[%add3A, %div3A_503, %dma_wait3A_542, %dma_wait3A_543] : memref<32x25x5x80xi32, #tpu.memory_space<hbm>> -> memref<1x1x5x80xi32, #tpu.memory_space<hbm>>
        %dma_wait3A_545 = tpu.memref_squeeze %dma_wait3A_544 : memref<1x1x5x80xi32, #tpu.memory_space<hbm>> -> memref<5x80xi32, #tpu.memory_space<hbm>>
        %dma_wait3A_546 = arith.constant 0 : i32
        %dma_wait3A_547 = arith.constant 0 : i32
        %dma_wait3A_548 = tpu.memref_slice %arg10[%rem3A_505, %dma_wait3A_546, %dma_wait3A_547] : memref<2x5x80xi32, #tpu.memory_space<vmem>> -> memref<1x5x80xi32, #tpu.memory_space<vmem>>
        %dma_wait3A_549 = tpu.memref_squeeze %dma_wait3A_548 : memref<1x5x80xi32, #tpu.memory_space<vmem>> -> memref<5x80xi32, #tpu.memory_space<vmem>>
        %dma_wait3A_550 = arith.constant 0 : i32
        %dma_wait3A_551 = arith.constant 0 : i32
        %dma_wait3A_552 = tpu.memref_slice %arg6[%add3A, %div3A_503, %dma_wait3A_550, %dma_wait3A_551] : memref<32x25x5x80xi32, #tpu.memory_space<hbm>> -> memref<1x1x5x80xi32, #tpu.memory_space<hbm>>
        %dma_wait3A_553 = tpu.memref_squeeze %dma_wait3A_552 : memref<1x1x5x80xi32, #tpu.memory_space<hbm>> -> memref<5x80xi32, #tpu.memory_space<hbm>>
        tpu.wait_dma2 semaphore(%arg17 : memref<!tpu.dma_semaphore, #tpu.memory_space<semaphore_mem>>) src(%dma_wait3A_553 : memref<5x80xi32, #tpu.memory_space<hbm>>) dst(%dma_wait3A_549 : memref<5x80xi32, #tpu.memory_space<vmem>>)
      } else {
      }
      %ge3A_476 = arith.constant 2 : i32
      %ge3A_477 = arith.cmpi sge, %scan3A_453, %ge3A_476 : i32
      %le3A_478 = arith.constant 126 : i32
      %le3A_479 = arith.cmpi sle, %scan3A_453, %le3A_478 : i32
      %and3A_480 = arith.andi %ge3A_477, %le3A_479 : i1
      %convert_element_type3A_481 = arith.extui %and3A_480 : i1 to i32
      %cond3A_482 = arith.constant 0 : i32
      %cond3A_483 = arith.cmpi ne, %convert_element_type3A_481, %cond3A_482 : i32
      scf.if %cond3A_483 {
        %sub3A = arith.constant 2 : i32
        %sub3A_502 = arith.subi %scan3A_453, %sub3A : i32
        %div3A_503 = arith.constant 5 : i32
        %div3A_504 = arith.divsi %sub3A_502, %div3A_503 : i32
        %rem3A_505 = arith.constant 2 : i32
        %rem3A_506 = arith.remsi %div3A_504, %rem3A_505 : i32
        %rem3A_507 = arith.constant 5 : i32
        %rem3A_508 = arith.remsi %sub3A_502, %rem3A_507 : i32
        %rem3A_509 = arith.constant 3 : i32
        %rem3A_510 = arith.remsi %sub3A_502, %rem3A_509 : i32
        %dma_wait3A_511 = arith.constant 0 : i32
        %dma_wait3A_512 = arith.constant 0 : i32
        %dma_wait3A_513 = tpu.memref_slice %arg12[%rem3A_510, %dma_wait3A_511, %dma_wait3A_512] : memref<3x80x128xf32, #tpu.memory_space<vmem>> -> memref<1x80x128xf32, #tpu.memory_space<vmem>>
        %dma_wait3A_514 = tpu.memref_squeeze %dma_wait3A_513 : memref<1x80x128xf32, #tpu.memory_space<vmem>> -> memref<80x128xf32, #tpu.memory_space<vmem>>
        %dma_wait3A_515 = arith.constant 0 : i32
        %dma_wait3A_516 = tpu.memref_slice %arg9[%rem3A_506, %rem3A_508, %dma_wait3A_515] : memref<2x5x80xi32, #tpu.memory_space<vmem>> -> memref<1x1x80xi32, #tpu.memory_space<vmem>>
        %dma_wait3A_517 = tpu.memref_squeeze %dma_wait3A_516 : memref<1x1x80xi32, #tpu.memory_space<vmem>> -> memref<80xi32, #tpu.memory_space<vmem>>
        %dma_wait3A_518 = arith.constant 0 : i32
        %dma_wait3A_519 = arith.constant 0 : i32
        %dma_wait3A_520 = tpu.memref_slice %arg13[%dma_wait3A_518, %dma_wait3A_519] : memref<10240x128xf32, #tpu.memory_space<vmem_shared>> -> memref<10240x128xf32, #tpu.memory_space<vmem_shared>>
        tpu.wait_indirect_dma semaphore(%arg16 : memref<!tpu.dma_semaphore, #tpu.memory_space<semaphore_mem>>) src(%dma_wait3A_514 : memref<80x128xf32, #tpu.memory_space<vmem>>) dst(%dma_wait3A_520 : memref<10240x128xf32, #tpu.memory_space<vmem_shared>>)
      } else {
      }
      %le3A_484 = arith.constant 123 : i32
      %le3A_485 = arith.cmpi sle, %scan3A_453, %le3A_484 : i32
      %convert_element_type3A_486 = arith.extui %le3A_485 : i1 to i32
      %cond3A_487 = arith.constant 0 : i32
      %cond3A_488 = arith.cmpi ne, %convert_element_type3A_486, %cond3A_487 : i32
      scf.if %cond3A_488 {
        %add3A_502 = arith.constant 1 : i32
        %add3A_503 = arith.addi %scan3A_453, %add3A_502 : i32
        %div3A_504 = arith.constant 5 : i32
        %div3A_505 = arith.divsi %add3A_503, %div3A_504 : i32
        %rem3A_506 = arith.constant 2 : i32
        %rem3A_507 = arith.remsi %div3A_505, %rem3A_506 : i32
        %rem3A_508 = arith.constant 5 : i32
        %rem3A_509 = arith.remsi %add3A_503, %rem3A_508 : i32
        %rem3A_510 = arith.constant 3 : i32
        %rem3A_511 = arith.remsi %add3A_503, %rem3A_510 : i32
        %dma_start3A_512 = arith.constant 0 : i32
        %dma_start3A_513 = arith.constant 0 : i32
        %dma_start3A_514 = tpu.memref_slice %arg12[%rem3A_511, %dma_start3A_512, %dma_start3A_513] : memref<3x80x128xf32, #tpu.memory_space<vmem>> -> memref<1x80x128xf32, #tpu.memory_space<vmem>>
        %dma_start3A_515 = tpu.memref_squeeze %dma_start3A_514 : memref<1x80x128xf32, #tpu.memory_space<vmem>> -> memref<80x128xf32, #tpu.memory_space<vmem>>
        %dma_start3A_516 = arith.constant 0 : i32
        %dma_start3A_517 = tpu.memref_slice %arg8[%rem3A_507, %rem3A_509, %dma_start3A_516] : memref<2x5x80xi32, #tpu.memory_space<vmem>> -> memref<1x1x80xi32, #tpu.memory_space<vmem>>
        %dma_start3A_518 = tpu.memref_squeeze %dma_start3A_517 : memref<1x1x80xi32, #tpu.memory_space<vmem>> -> memref<80xi32, #tpu.memory_space<vmem>>
        %dma_start3A_519 = arith.constant 0 : i32
        %dma_start3A_520 = arith.constant 0 : i32
        %dma_start3A_521 = tpu.memref_slice %arg2[%dma_start3A_519, %dma_start3A_520] : memref<10000x128xf32, #tpu.memory_space<hbm>> -> memref<10000x128xf32, #tpu.memory_space<hbm>>
        tpu.enqueue_indirect_dma source(%dma_start3A_521 : memref<10000x128xf32, #tpu.memory_space<hbm>>) target(%dma_start3A_515 : memref<80x128xf32, #tpu.memory_space<vmem>>) offsets(%dma_start3A_518 : memref<80xi32, #tpu.memory_space<vmem>>) semaphore(%arg14 : memref<!tpu.dma_semaphore, #tpu.memory_space<semaphore_mem>>)
      } else {
      }
      %le3A_489 = arith.constant 124 : i32
      %le3A_490 = arith.cmpi sle, %scan3A_453, %le3A_489 : i32
      %convert_element_type3A_491 = arith.extui %le3A_490 : i1 to i32
      %cond3A_492 = arith.constant 0 : i32
      %cond3A_493 = arith.cmpi ne, %convert_element_type3A_491, %cond3A_492 : i32
      scf.if %cond3A_493 {
        %div3A_502 = arith.constant 5 : i32
        %div3A_503 = arith.divsi %scan3A_453, %div3A_502 : i32
        %rem3A_504 = arith.constant 2 : i32
        %rem3A_505 = arith.remsi %div3A_503, %rem3A_504 : i32
        %rem3A_506 = arith.constant 5 : i32
        %rem3A_507 = arith.remsi %scan3A_453, %rem3A_506 : i32
        %rem3A_508 = arith.constant 3 : i32
        %rem3A_509 = arith.remsi %scan3A_453, %rem3A_508 : i32
        %dma_wait3A_510 = arith.constant 0 : i32
        %dma_wait3A_511 = arith.constant 0 : i32
        %dma_wait3A_512 = tpu.memref_slice %arg12[%rem3A_509, %dma_wait3A_510, %dma_wait3A_511] : memref<3x80x128xf32, #tpu.memory_space<vmem>> -> memref<1x80x128xf32, #tpu.memory_space<vmem>>
        %dma_wait3A_513 = tpu.memref_squeeze %dma_wait3A_512 : memref<1x80x128xf32, #tpu.memory_space<vmem>> -> memref<80x128xf32, #tpu.memory_space<vmem>>
        %dma_wait3A_514 = arith.constant 0 : i32
        %dma_wait3A_515 = tpu.memref_slice %arg8[%rem3A_505, %rem3A_507, %dma_wait3A_514] : memref<2x5x80xi32, #tpu.memory_space<vmem>> -> memref<1x1x80xi32, #tpu.memory_space<vmem>>
        %dma_wait3A_516 = tpu.memref_squeeze %dma_wait3A_515 : memref<1x1x80xi32, #tpu.memory_space<vmem>> -> memref<80xi32, #tpu.memory_space<vmem>>
        %dma_wait3A_517 = arith.constant 0 : i32
        %dma_wait3A_518 = arith.constant 0 : i32
        %dma_wait3A_519 = tpu.memref_slice %arg2[%dma_wait3A_517, %dma_wait3A_518] : memref<10000x128xf32, #tpu.memory_space<hbm>> -> memref<10000x128xf32, #tpu.memory_space<hbm>>
        tpu.wait_indirect_dma semaphore(%arg14 : memref<!tpu.dma_semaphore, #tpu.memory_space<semaphore_mem>>) src(%dma_wait3A_519 : memref<10000x128xf32, #tpu.memory_space<hbm>>) dst(%dma_wait3A_513 : memref<80x128xf32, #tpu.memory_space<vmem>>)
        %div3A_520 = arith.constant 5 : i32
        %div3A_521 = arith.divsi %scan3A_453, %div3A_520 : i32
        %rem3A_522 = arith.constant 2 : i32
        %rem3A_523 = arith.remsi %div3A_521, %rem3A_522 : i32
        %rem3A_524 = arith.constant 5 : i32
        %rem3A_525 = arith.remsi %scan3A_453, %rem3A_524 : i32
        %rem3A_526 = arith.constant 3 : i32
        %rem3A_527 = arith.remsi %scan3A_453, %rem3A_526 : i32
        %dma_start3A_528 = arith.constant 0 : i32
        %dma_start3A_529 = arith.constant 0 : i32
        %dma_start3A_530 = tpu.memref_slice %arg12[%rem3A_527, %dma_start3A_528, %dma_start3A_529] : memref<3x80x128xf32, #tpu.memory_space<vmem>> -> memref<1x80x128xf32, #tpu.memory_space<vmem>>
        %dma_start3A_531 = tpu.memref_squeeze %dma_start3A_530 : memref<1x80x128xf32, #tpu.memory_space<vmem>> -> memref<80x128xf32, #tpu.memory_space<vmem>>
        %dma_start3A_532 = arith.constant 0 : i32
        %dma_start3A_533 = tpu.memref_slice %arg10[%rem3A_523, %rem3A_525, %dma_start3A_532] : memref<2x5x80xi32, #tpu.memory_space<vmem>> -> memref<1x1x80xi32, #tpu.memory_space<vmem>>
        %dma_start3A_534 = tpu.memref_squeeze %dma_start3A_533 : memref<1x1x80xi32, #tpu.memory_space<vmem>> -> memref<80xi32, #tpu.memory_space<vmem>>
        %dma_start3A_535 = arith.constant 0 : i32
        %dma_start3A_536 = arith.constant 0 : i32
        %dma_start3A_537 = tpu.memref_slice %arg11[%dma_start3A_535, %dma_start3A_536] : memref<32x128xf32, #tpu.memory_space<vmem_shared>> -> memref<32x128xf32, #tpu.memory_space<vmem_shared>>
        tpu.enqueue_indirect_dma source(%dma_start3A_537 : memref<32x128xf32, #tpu.memory_space<vmem_shared>>) target(%dma_start3A_531 : memref<80x128xf32, #tpu.memory_space<vmem>>) offsets(%dma_start3A_534 : memref<80xi32, #tpu.memory_space<vmem>>) semaphore(%arg15 : memref<!tpu.dma_semaphore, #tpu.memory_space<semaphore_mem>>) {add = true}
      } else {
      }
      %ge3A_494 = arith.constant 1 : i32
      %ge3A_495 = arith.cmpi sge, %scan3A_453, %ge3A_494 : i32
      %le3A_496 = arith.constant 125 : i32
      %le3A_497 = arith.cmpi sle, %scan3A_453, %le3A_496 : i32
      %and3A_498 = arith.andi %ge3A_495, %le3A_497 : i1
      %convert_element_type3A_499 = arith.extui %and3A_498 : i1 to i32
      %cond3A_500 = arith.constant 0 : i32
      %cond3A_501 = arith.cmpi ne, %convert_element_type3A_499, %cond3A_500 : i32
      scf.if %cond3A_501 {
        %sub3A = arith.constant 1 : i32
        %sub3A_502 = arith.subi %scan3A_453, %sub3A : i32
        %div3A_503 = arith.constant 5 : i32
        %div3A_504 = arith.divsi %sub3A_502, %div3A_503 : i32
        %rem3A_505 = arith.constant 2 : i32
        %rem3A_506 = arith.remsi %div3A_504, %rem3A_505 : i32
        %rem3A_507 = arith.constant 5 : i32
        %rem3A_508 = arith.remsi %sub3A_502, %rem3A_507 : i32
        %rem3A_509 = arith.constant 3 : i32
        %rem3A_510 = arith.remsi %sub3A_502, %rem3A_509 : i32
        %dma_wait3A_511 = arith.constant 0 : i32
        %dma_wait3A_512 = arith.constant 0 : i32
        %dma_wait3A_513 = tpu.memref_slice %arg12[%rem3A_510, %dma_wait3A_511, %dma_wait3A_512] : memref<3x80x128xf32, #tpu.memory_space<vmem>> -> memref<1x80x128xf32, #tpu.memory_space<vmem>>
        %dma_wait3A_514 = tpu.memref_squeeze %dma_wait3A_513 : memref<1x80x128xf32, #tpu.memory_space<vmem>> -> memref<80x128xf32, #tpu.memory_space<vmem>>
        %dma_wait3A_515 = arith.constant 0 : i32
        %dma_wait3A_516 = tpu.memref_slice %arg10[%rem3A_506, %rem3A_508, %dma_wait3A_515] : memref<2x5x80xi32, #tpu.memory_space<vmem>> -> memref<1x1x80xi32, #tpu.memory_space<vmem>>
        %dma_wait3A_517 = tpu.memref_squeeze %dma_wait3A_516 : memref<1x1x80xi32, #tpu.memory_space<vmem>> -> memref<80xi32, #tpu.memory_space<vmem>>
        %dma_wait3A_518 = arith.constant 0 : i32
        %dma_wait3A_519 = arith.constant 0 : i32
        %dma_wait3A_520 = tpu.memref_slice %arg11[%dma_wait3A_518, %dma_wait3A_519] : memref<32x128xf32, #tpu.memory_space<vmem_shared>> -> memref<32x128xf32, #tpu.memory_space<vmem_shared>>
        tpu.wait_indirect_dma semaphore(%arg15 : memref<!tpu.dma_semaphore, #tpu.memory_space<semaphore_mem>>) src(%dma_wait3A_520 : memref<32x128xf32, #tpu.memory_space<vmem_shared>>) dst(%dma_wait3A_514 : memref<80x128xf32, #tpu.memory_space<vmem>>)
        %sub3A_521 = arith.constant 1 : i32
        %sub3A_522 = arith.subi %scan3A_453, %sub3A_521 : i32
        %div3A_523 = arith.constant 5 : i32
        %div3A_524 = arith.divsi %sub3A_522, %div3A_523 : i32
        %rem3A_525 = arith.constant 2 : i32
        %rem3A_526 = arith.remsi %div3A_524, %rem3A_525 : i32
        %rem3A_527 = arith.constant 5 : i32
        %rem3A_528 = arith.remsi %sub3A_522, %rem3A_527 : i32
        %rem3A_529 = arith.constant 3 : i32
        %rem3A_530 = arith.remsi %sub3A_522, %rem3A_529 : i32
        %dma_start3A_531 = arith.constant 0 : i32
        %dma_start3A_532 = arith.constant 0 : i32
        %dma_start3A_533 = tpu.memref_slice %arg12[%rem3A_530, %dma_start3A_531, %dma_start3A_532] : memref<3x80x128xf32, #tpu.memory_space<vmem>> -> memref<1x80x128xf32, #tpu.memory_space<vmem>>
        %dma_start3A_534 = tpu.memref_squeeze %dma_start3A_533 : memref<1x80x128xf32, #tpu.memory_space<vmem>> -> memref<80x128xf32, #tpu.memory_space<vmem>>
        %dma_start3A_535 = arith.constant 0 : i32
        %dma_start3A_536 = tpu.memref_slice %arg9[%rem3A_526, %rem3A_528, %dma_start3A_535] : memref<2x5x80xi32, #tpu.memory_space<vmem>> -> memref<1x1x80xi32, #tpu.memory_space<vmem>>
        %dma_start3A_537 = tpu.memref_squeeze %dma_start3A_536 : memref<1x1x80xi32, #tpu.memory_space<vmem>> -> memref<80xi32, #tpu.memory_space<vmem>>
        %dma_start3A_538 = arith.constant 0 : i32
        %dma_start3A_539 = arith.constant 0 : i32
        %dma_start3A_540 = tpu.memref_slice %arg13[%dma_start3A_538, %dma_start3A_539] : memref<10240x128xf32, #tpu.memory_space<vmem_shared>> -> memref<10240x128xf32, #tpu.memory_space<vmem_shared>>
        tpu.enqueue_indirect_dma source(%dma_start3A_534 : memref<80x128xf32, #tpu.memory_space<vmem>>) target(%dma_start3A_540 : memref<10240x128xf32, #tpu.memory_space<vmem_shared>>) offsets(%dma_start3A_537 : memref<80xi32, #tpu.memory_space<vmem>>) semaphore(%arg16 : memref<!tpu.dma_semaphore, #tpu.memory_space<semaphore_mem>>) {add = true}
      } else {
      }
    }
    %scan3A_381 = arith.constant 127 : i32
    %barrier3A_382 = arith.constant 0 : index
    tpu.barrier barrier_id(%barrier3A_382)
    %add3A_383 = arith.constant 0 : i32
    %add3A_384 = arith.addi %mul3A_10, %add3A_383 : i32
    %dma_start3A_385 = arith.constant 0 : i32
    %dma_start3A_386 = tpu.memref_slice %arg7[%arg0, %add3A_384, %dma_start3A_385] : memref<2x10240x128xf32, #tpu.memory_space<hbm>> -> memref<1x128x128xf32, #tpu.memory_space<hbm>>
    %dma_start3A_387 = tpu.memref_squeeze %dma_start3A_386 : memref<1x128x128xf32, #tpu.memory_space<hbm>> -> memref<128x128xf32, #tpu.memory_space<hbm>>
    %dma_start3A_388 = arith.constant 0 : i32
    %dma_start3A_389 = tpu.memref_slice %arg13[%add3A_384, %dma_start3A_388] : memref<10240x128xf32, #tpu.memory_space<vmem_shared>> -> memref<128x128xf32, #tpu.memory_space<vmem_shared>>
    tpu.enqueue_dma source(%dma_start3A_389 : memref<128x128xf32, #tpu.memory_space<vmem_shared>>) target(%dma_start3A_387 : memref<128x128xf32, #tpu.memory_space<hbm>>) target_semaphore(%arg14 : memref<!tpu.dma_semaphore, #tpu.memory_space<semaphore_mem>>)
    %add3A_390 = arith.constant 128 : i32
    %add3A_391 = arith.addi %mul3A_10, %add3A_390 : i32
    %dma_start3A_392 = arith.constant 0 : i32
    %dma_start3A_393 = tpu.memref_slice %arg7[%arg0, %add3A_391, %dma_start3A_392] : memref<2x10240x128xf32, #tpu.memory_space<hbm>> -> memref<1x128x128xf32, #tpu.memory_space<hbm>>
    %dma_start3A_394 = tpu.memref_squeeze %dma_start3A_393 : memref<1x128x128xf32, #tpu.memory_space<hbm>> -> memref<128x128xf32, #tpu.memory_space<hbm>>
    %dma_start3A_395 = arith.constant 0 : i32
    %dma_start3A_396 = tpu.memref_slice %arg13[%add3A_391, %dma_start3A_395] : memref<10240x128xf32, #tpu.memory_space<vmem_shared>> -> memref<128x128xf32, #tpu.memory_space<vmem_shared>>
    tpu.enqueue_dma source(%dma_start3A_396 : memref<128x128xf32, #tpu.memory_space<vmem_shared>>) target(%dma_start3A_394 : memref<128x128xf32, #tpu.memory_space<hbm>>) target_semaphore(%arg14 : memref<!tpu.dma_semaphore, #tpu.memory_space<semaphore_mem>>)
    %add3A_397 = arith.constant 256 : i32
    %add3A_398 = arith.addi %mul3A_10, %add3A_397 : i32
    %dma_start3A_399 = arith.constant 0 : i32
    %dma_start3A_400 = tpu.memref_slice %arg7[%arg0, %add3A_398, %dma_start3A_399] : memref<2x10240x128xf32, #tpu.memory_space<hbm>> -> memref<1x128x128xf32, #tpu.memory_space<hbm>>
    %dma_start3A_401 = tpu.memref_squeeze %dma_start3A_400 : memref<1x128x128xf32, #tpu.memory_space<hbm>> -> memref<128x128xf32, #tpu.memory_space<hbm>>
    %dma_start3A_402 = arith.constant 0 : i32
    %dma_start3A_403 = tpu.memref_slice %arg13[%add3A_398, %dma_start3A_402] : memref<10240x128xf32, #tpu.memory_space<vmem_shared>> -> memref<128x128xf32, #tpu.memory_space<vmem_shared>>
    tpu.enqueue_dma source(%dma_start3A_403 : memref<128x128xf32, #tpu.memory_space<vmem_shared>>) target(%dma_start3A_401 : memref<128x128xf32, #tpu.memory_space<hbm>>) target_semaphore(%arg14 : memref<!tpu.dma_semaphore, #tpu.memory_space<semaphore_mem>>)
    %add3A_404 = arith.constant 384 : i32
    %add3A_405 = arith.addi %mul3A_10, %add3A_404 : i32
    %dma_start3A_406 = arith.constant 0 : i32
    %dma_start3A_407 = tpu.memref_slice %arg7[%arg0, %add3A_405, %dma_start3A_406] : memref<2x10240x128xf32, #tpu.memory_space<hbm>> -> memref<1x128x128xf32, #tpu.memory_space<hbm>>
    %dma_start3A_408 = tpu.memref_squeeze %dma_start3A_407 : memref<1x128x128xf32, #tpu.memory_space<hbm>> -> memref<128x128xf32, #tpu.memory_space<hbm>>
    %dma_start3A_409 = arith.constant 0 : i32
    %dma_start3A_410 = tpu.memref_slice %arg13[%add3A_405, %dma_start3A_409] : memref<10240x128xf32, #tpu.memory_space<vmem_shared>> -> memref<128x128xf32, #tpu.memory_space<vmem_shared>>
    tpu.enqueue_dma source(%dma_start3A_410 : memref<128x128xf32, #tpu.memory_space<vmem_shared>>) target(%dma_start3A_408 : memref<128x128xf32, #tpu.memory_space<hbm>>) target_semaphore(%arg14 : memref<!tpu.dma_semaphore, #tpu.memory_space<semaphore_mem>>)
    %add3A_411 = arith.constant 512 : i32
    %add3A_412 = arith.addi %mul3A_10, %add3A_411 : i32
    %dma_start3A_413 = arith.constant 0 : i32
    %dma_start3A_414 = tpu.memref_slice %arg7[%arg0, %add3A_412, %dma_start3A_413] : memref<2x10240x128xf32, #tpu.memory_space<hbm>> -> memref<1x128x128xf32, #tpu.memory_space<hbm>>
    %dma_start3A_415 = tpu.memref_squeeze %dma_start3A_414 : memref<1x128x128xf32, #tpu.memory_space<hbm>> -> memref<128x128xf32, #tpu.memory_space<hbm>>
    %dma_start3A_416 = arith.constant 0 : i32
    %dma_start3A_417 = tpu.memref_slice %arg13[%add3A_412, %dma_start3A_416] : memref<10240x128xf32, #tpu.memory_space<vmem_shared>> -> memref<128x128xf32, #tpu.memory_space<vmem_shared>>
    tpu.enqueue_dma source(%dma_start3A_417 : memref<128x128xf32, #tpu.memory_space<vmem_shared>>) target(%dma_start3A_415 : memref<128x128xf32, #tpu.memory_space<hbm>>) target_semaphore(%arg14 : memref<!tpu.dma_semaphore, #tpu.memory_space<semaphore_mem>>)
    %add3A_418 = arith.constant 0 : i32
    %add3A_419 = arith.addi %mul3A_10, %add3A_418 : i32
    %dma_wait3A_420 = arith.constant 0 : i32
    %dma_wait3A_421 = tpu.memref_slice %arg7[%arg0, %add3A_419, %dma_wait3A_420] : memref<2x10240x128xf32, #tpu.memory_space<hbm>> -> memref<1x128x128xf32, #tpu.memory_space<hbm>>
    %dma_wait3A_422 = tpu.memref_squeeze %dma_wait3A_421 : memref<1x128x128xf32, #tpu.memory_space<hbm>> -> memref<128x128xf32, #tpu.memory_space<hbm>>
    %dma_wait3A_423 = arith.constant 0 : i32
    %dma_wait3A_424 = tpu.memref_slice %arg13[%add3A_419, %dma_wait3A_423] : memref<10240x128xf32, #tpu.memory_space<vmem_shared>> -> memref<128x128xf32, #tpu.memory_space<vmem_shared>>
    tpu.wait_dma2 semaphore(%arg14 : memref<!tpu.dma_semaphore, #tpu.memory_space<semaphore_mem>>) src(%dma_wait3A_424 : memref<128x128xf32, #tpu.memory_space<vmem_shared>>) dst(%dma_wait3A_422 : memref<128x128xf32, #tpu.memory_space<hbm>>)
    %add3A_425 = arith.constant 128 : i32
    %add3A_426 = arith.addi %mul3A_10, %add3A_425 : i32
    %dma_wait3A_427 = arith.constant 0 : i32
    %dma_wait3A_428 = tpu.memref_slice %arg7[%arg0, %add3A_426, %dma_wait3A_427] : memref<2x10240x128xf32, #tpu.memory_space<hbm>> -> memref<1x128x128xf32, #tpu.memory_space<hbm>>
    %dma_wait3A_429 = tpu.memref_squeeze %dma_wait3A_428 : memref<1x128x128xf32, #tpu.memory_space<hbm>> -> memref<128x128xf32, #tpu.memory_space<hbm>>
    %dma_wait3A_430 = arith.constant 0 : i32
    %dma_wait3A_431 = tpu.memref_slice %arg13[%add3A_426, %dma_wait3A_430] : memref<10240x128xf32, #tpu.memory_space<vmem_shared>> -> memref<128x128xf32, #tpu.memory_space<vmem_shared>>
    tpu.wait_dma2 semaphore(%arg14 : memref<!tpu.dma_semaphore, #tpu.memory_space<semaphore_mem>>) src(%dma_wait3A_431 : memref<128x128xf32, #tpu.memory_space<vmem_shared>>) dst(%dma_wait3A_429 : memref<128x128xf32, #tpu.memory_space<hbm>>)
    %add3A_432 = arith.constant 256 : i32
    %add3A_433 = arith.addi %mul3A_10, %add3A_432 : i32
    %dma_wait3A_434 = arith.constant 0 : i32
    %dma_wait3A_435 = tpu.memref_slice %arg7[%arg0, %add3A_433, %dma_wait3A_434] : memref<2x10240x128xf32, #tpu.memory_space<hbm>> -> memref<1x128x128xf32, #tpu.memory_space<hbm>>
    %dma_wait3A_436 = tpu.memref_squeeze %dma_wait3A_435 : memref<1x128x128xf32, #tpu.memory_space<hbm>> -> memref<128x128xf32, #tpu.memory_space<hbm>>
    %dma_wait3A_437 = arith.constant 0 : i32
    %dma_wait3A_438 = tpu.memref_slice %arg13[%add3A_433, %dma_wait3A_437] : memref<10240x128xf32, #tpu.memory_space<vmem_shared>> -> memref<128x128xf32, #tpu.memory_space<vmem_shared>>
    tpu.wait_dma2 semaphore(%arg14 : memref<!tpu.dma_semaphore, #tpu.memory_space<semaphore_mem>>) src(%dma_wait3A_438 : memref<128x128xf32, #tpu.memory_space<vmem_shared>>) dst(%dma_wait3A_436 : memref<128x128xf32, #tpu.memory_space<hbm>>)
    %add3A_439 = arith.constant 384 : i32
    %add3A_440 = arith.addi %mul3A_10, %add3A_439 : i32
    %dma_wait3A_441 = arith.constant 0 : i32
    %dma_wait3A_442 = tpu.memref_slice %arg7[%arg0, %add3A_440, %dma_wait3A_441] : memref<2x10240x128xf32, #tpu.memory_space<hbm>> -> memref<1x128x128xf32, #tpu.memory_space<hbm>>
    %dma_wait3A_443 = tpu.memref_squeeze %dma_wait3A_442 : memref<1x128x128xf32, #tpu.memory_space<hbm>> -> memref<128x128xf32, #tpu.memory_space<hbm>>
    %dma_wait3A_444 = arith.constant 0 : i32
    %dma_wait3A_445 = tpu.memref_slice %arg13[%add3A_440, %dma_wait3A_444] : memref<10240x128xf32, #tpu.memory_space<vmem_shared>> -> memref<128x128xf32, #tpu.memory_space<vmem_shared>>
    tpu.wait_dma2 semaphore(%arg14 : memref<!tpu.dma_semaphore, #tpu.memory_space<semaphore_mem>>) src(%dma_wait3A_445 : memref<128x128xf32, #tpu.memory_space<vmem_shared>>) dst(%dma_wait3A_443 : memref<128x128xf32, #tpu.memory_space<hbm>>)
    %add3A_446 = arith.constant 512 : i32
    %add3A_447 = arith.addi %mul3A_10, %add3A_446 : i32
    %dma_wait3A_448 = arith.constant 0 : i32
    %dma_wait3A_449 = tpu.memref_slice %arg7[%arg0, %add3A_447, %dma_wait3A_448] : memref<2x10240x128xf32, #tpu.memory_space<hbm>> -> memref<1x128x128xf32, #tpu.memory_space<hbm>>
    %dma_wait3A_450 = tpu.memref_squeeze %dma_wait3A_449 : memref<1x128x128xf32, #tpu.memory_space<hbm>> -> memref<128x128xf32, #tpu.memory_space<hbm>>
    %dma_wait3A_451 = arith.constant 0 : i32
    %dma_wait3A_452 = tpu.memref_slice %arg13[%add3A_447, %dma_wait3A_451] : memref<10240x128xf32, #tpu.memory_space<vmem_shared>> -> memref<128x128xf32, #tpu.memory_space<vmem_shared>>
    tpu.wait_dma2 semaphore(%arg14 : memref<!tpu.dma_semaphore, #tpu.memory_space<semaphore_mem>>) src(%dma_wait3A_452 : memref<128x128xf32, #tpu.memory_space<vmem_shared>>) dst(%dma_wait3A_450 : memref<128x128xf32, #tpu.memory_space<hbm>>)
    return
  }
}

module attributes {stable_mosaic.version = 14 : i64} {
  func.func @_tc_body(%arg0: memref<2x10240x128xf32, #tpu.memory_space<vmem>>, %arg1: memref<128x256xf32, #tpu.memory_space<vmem>>, %arg2: memref<1x256xf32, #tpu.memory_space<vmem>>, %arg3: memref<256x128xf32, #tpu.memory_space<vmem>>, %arg4: memref<1x128xf32, #tpu.memory_space<vmem>>, %arg5: memref<1x128xf32, #tpu.memory_space<vmem>>, %arg6: memref<1x128xf32, #tpu.memory_space<vmem>>, %arg7: memref<10240x128xf32, #tpu.memory_space<vmem>>) attributes {dimension_semantics = [], scalar_prefetch = 0 : i64, scratch_operands = 0 : i64, tpu.core_type = #tpu.core_type<tc>} {
    %get3A = arith.constant 0 : index
    %get3A_0 = arith.constant 0 : index
    %get3A_1 = arith.constant 0 : index
    %get3A_2 = vector.load %arg0[%get3A, %get3A_0, %get3A_1] : memref<2x10240x128xf32, #tpu.memory_space<vmem>>, vector<1x10240x128xf32>
    %get3A_3 = vector.shape_cast %get3A_2 : vector<1x10240x128xf32> to vector<10240x128xf32>
    %get3A_4 = arith.constant 1 : index
    %get3A_5 = arith.constant 0 : index
    %get3A_6 = arith.constant 0 : index
    %get3A_7 = vector.load %arg0[%get3A_4, %get3A_5, %get3A_6] : memref<2x10240x128xf32, #tpu.memory_space<vmem>>, vector<1x10240x128xf32>
    %get3A_8 = vector.shape_cast %get3A_7 : vector<1x10240x128xf32> to vector<10240x128xf32>
    %add3A = arith.addf %get3A_3, %get3A_8 : vector<10240x128xf32>
    %get3A_9 = arith.constant 0 : index
    %get3A_10 = arith.constant 0 : index
    %get3A_11 = vector.load %arg1[%get3A_9, %get3A_10] : memref<128x256xf32, #tpu.memory_space<vmem>>, vector<128x256xf32>
    %dot_general3A = arith.constant dense<0.000000e+00> : vector<10240x256xf32>
    %dot_general3A_12 = tpu.matmul %add3A, %get3A_11, %dot_general3A {dimension_numbers = #tpu.dot_dimension_numbers<[1], [0], [0], [1], [0, 0, 1, 1], [], []>, transpose_lhs_hint = false} : vector<10240x128xf32>, vector<128x256xf32>, vector<10240x256xf32> -> vector<10240x256xf32>
    %get3A_13 = arith.constant 0 : index
    %get3A_14 = arith.constant 0 : index
    %get3A_15 = vector.load %arg2[%get3A_13, %get3A_14] : memref<1x256xf32, #tpu.memory_space<vmem>>, vector<1x256xf32>
    %add3A_16 = vector.broadcast %get3A_15 : vector<1x256xf32> to vector<10240x256xf32>
    %add3A_17 = arith.addf %dot_general3A_12, %add3A_16 : vector<10240x256xf32>
    %max3A = arith.constant 0.000000e+00 : f32
    %max3A_18 = vector.broadcast %max3A : f32 to vector<10240x256xf32>
    %max3A_19 = arith.maximumf %add3A_17, %max3A_18 : vector<10240x256xf32>
    %get3A_20 = arith.constant 0 : index
    %get3A_21 = arith.constant 0 : index
    %get3A_22 = vector.load %arg3[%get3A_20, %get3A_21] : memref<256x128xf32, #tpu.memory_space<vmem>>, vector<256x128xf32>
    %dot_general3A_23 = arith.constant dense<0.000000e+00> : vector<10240x128xf32>
    %dot_general3A_24 = tpu.matmul %max3A_19, %get3A_22, %dot_general3A_23 {dimension_numbers = #tpu.dot_dimension_numbers<[1], [0], [0], [1], [0, 0, 1, 1], [], []>, transpose_lhs_hint = false} : vector<10240x256xf32>, vector<256x128xf32>, vector<10240x128xf32> -> vector<10240x128xf32>
    %get3A_25 = arith.constant 0 : index
    %get3A_26 = arith.constant 0 : index
    %get3A_27 = vector.load %arg4[%get3A_25, %get3A_26] : memref<1x128xf32, #tpu.memory_space<vmem>>, vector<1x128xf32>
    %add3A_28 = vector.broadcast %get3A_27 : vector<1x128xf32> to vector<10240x128xf32>
    %add3A_29 = arith.addf %dot_general3A_24, %add3A_28 : vector<10240x128xf32>
    %iota3A = tpu.iota {dimensions = array<i32: 0>} : vector<10240x1xi32>
    %lt3A = arith.constant 10000 : i32
    %lt3A_30 = vector.broadcast %lt3A : i32 to vector<10240x1xi32>
    %lt3A_31 = arith.cmpi slt, %iota3A, %lt3A_30 : vector<10240x1xi32>
    %convert_element_type3A = arith.extui %lt3A_31 : vector<10240x1xi1> to vector<10240x1xi32>
    %convert_element_type3A_32 = arith.sitofp %convert_element_type3A : vector<10240x1xi32> to vector<10240x1xf32>
    %mul3A = vector.broadcast %convert_element_type3A_32 : vector<10240x1xf32> to vector<10240x128xf32>
    %mul3A_33 = arith.mulf %add3A_29, %mul3A : vector<10240x128xf32>
    %reduce_sum3A = arith.constant dense<0.000000e+00> : vector<128xf32>
    %reduce_sum3A_34 = vector.multi_reduction <add>, %mul3A_33, %reduce_sum3A [0] : vector<10240x128xf32> to vector<128xf32>
    %broadcast_in_dim3A = vector.shape_cast %reduce_sum3A_34 : vector<128xf32> to vector<1x128xf32>
    %mul3A_35 = arith.constant 9.99999974E-5 : f32
    %mul3A_36 = vector.broadcast %mul3A_35 : f32 to vector<1x128xf32>
    %mul3A_37 = arith.mulf %broadcast_in_dim3A, %mul3A_36 : vector<1x128xf32>
    %sub3A = vector.broadcast %mul3A_37 : vector<1x128xf32> to vector<10240x128xf32>
    %sub3A_38 = arith.subf %add3A_29, %sub3A : vector<10240x128xf32>
    %mul3A_39 = vector.broadcast %convert_element_type3A_32 : vector<10240x1xf32> to vector<10240x128xf32>
    %mul3A_40 = arith.mulf %sub3A_38, %mul3A_39 : vector<10240x128xf32>
    %mul3A_41 = arith.mulf %mul3A_40, %mul3A_40 : vector<10240x128xf32>
    %reduce_sum3A_42 = arith.constant dense<0.000000e+00> : vector<128xf32>
    %reduce_sum3A_43 = vector.multi_reduction <add>, %mul3A_41, %reduce_sum3A_42 [0] : vector<10240x128xf32> to vector<128xf32>
    %broadcast_in_dim3A_44 = vector.shape_cast %reduce_sum3A_43 : vector<128xf32> to vector<1x128xf32>
    %mul3A_45 = arith.constant 9.99999974E-5 : f32
    %mul3A_46 = vector.broadcast %mul3A_45 : f32 to vector<1x128xf32>
    %mul3A_47 = arith.mulf %broadcast_in_dim3A_44, %mul3A_46 : vector<1x128xf32>
    %sub3A_48 = vector.broadcast %mul3A_37 : vector<1x128xf32> to vector<10240x128xf32>
    %sub3A_49 = arith.subf %add3A_29, %sub3A_48 : vector<10240x128xf32>
    %add3A_50 = arith.constant 9.99999974E-6 : f32
    %add3A_51 = vector.broadcast %add3A_50 : f32 to vector<1x128xf32>
    %add3A_52 = arith.addf %mul3A_47, %add3A_51 : vector<1x128xf32>
    %rsqrt3A = math.rsqrt %add3A_52 : vector<1x128xf32>
    %mul3A_53 = vector.broadcast %rsqrt3A : vector<1x128xf32> to vector<10240x128xf32>
    %mul3A_54 = arith.mulf %sub3A_49, %mul3A_53 : vector<10240x128xf32>
    %get3A_55 = arith.constant 0 : index
    %get3A_56 = arith.constant 0 : index
    %get3A_57 = vector.load %arg5[%get3A_55, %get3A_56] : memref<1x128xf32, #tpu.memory_space<vmem>>, vector<1x128xf32>
    %mul3A_58 = vector.broadcast %get3A_57 : vector<1x128xf32> to vector<10240x128xf32>
    %mul3A_59 = arith.mulf %mul3A_54, %mul3A_58 : vector<10240x128xf32>
    %get3A_60 = arith.constant 0 : index
    %get3A_61 = arith.constant 0 : index
    %get3A_62 = vector.load %arg6[%get3A_60, %get3A_61] : memref<1x128xf32, #tpu.memory_space<vmem>>, vector<1x128xf32>
    %add3A_63 = vector.broadcast %get3A_62 : vector<1x128xf32> to vector<10240x128xf32>
    %add3A_64 = arith.addf %mul3A_59, %add3A_63 : vector<10240x128xf32>
    %swap3A = arith.constant 0 : index
    %swap3A_65 = arith.constant 0 : index
    %swap3A_66 = vector.load %arg7[%swap3A, %swap3A_65] : memref<10240x128xf32, #tpu.memory_space<vmem>>, vector<10240x128xf32>
    tpu.vector_store %arg7[%swap3A, %swap3A_65], %add3A_64 {strides = array<i32>} : memref<10240x128xf32, #tpu.memory_space<vmem>>, vector<10240x128xf32>,
    return
  }
}

</mosaic_0001>

<sc_bundles>
// kernel: kernel.4.cloned.1.call-start
scs
__scs_entry_jumppad:
0x0: {  	(pc) =	sbr.rel $0x88, $3  }
0x1: {  	(tag) =	ssettag $0x0;
	lr =	simm.s32 $0x1  }
0x2: {  	[smem:$0x3F93] =	sst lr;
	_ =	strace $0xD0000000  }
0x3: {  	_ = 	snop  }
0x4: {  	_ = 	snop  }
0x5: {  	_ = 	snop  }
0x6: {  	_ = 	snop  }
0x7: {  	_ = 	snop  }
__scs_overlays_trampoline_lowered:
0x8: {  	[smem:$0x3FA2] =	sst s0  }
0x9: {  	[smem:$0x3FA3] =	sst s1  }
0xa: {  	[smem:$0x3FA4] =	sst s2  }
0xb: {  	[smem:$0x3FA5] =	sst s3  }
0xc: {  	[smem:$0x3FA6] =	sst s4  }
0xd: {  	[smem:$0x3FA7] =	sst s5  }
0xe: {  	[smem:$0x3FA8] =	sst s6  }
0xf: {  	[smem:$0x3FA9] =	sst s7  }
0x10: {  	[smem:$0x3FAA] =	sst s8  }
0x11: {  	[smem:$0x3FAB] =	sst s9;
	s0 =	simm.s32 @!p0 $0x0  }
0x12: {  	s1 =	sld [smem:$0x3F91];
	s0 =	simm.s32 @p0 $0x1  }
0x13: {  	[smem:$0x3FAC] =	sst s0;
	s0 =	simm.s32 @!p1 $0x0  }
0x14: {  	s2 =	sld [smem:$0x3F90];
	s0 =	simm.s32 @p1 $0x1  }
0x15: {  	[smem:$0x3FAD] =	sst s0;
	s0 =	simm.s32 @!p2 $0x0  }
0x16: {  	s3 =	sld [smem:$0x3FDB];
	s0 =	simm.s32 @p2 $0x1  }
0x17: {  	s4 =	simm.s32 $0x1BF5;
	[smem:$0x3FAF] =	sst s0  }
0x18: {  	s0 =	sld [smem:$0x3F92];
	_ =	swait.ge [sflag:s4], $0x0  }
0x19: {  	s7 =	sld [smem:$0x3F93]  }
0x1a: {  	s8 =	sadd.s32 $0xFFFFE003, lr  }
0x1b: {  	s9 =	sadd.s32 $0xFFFFFEF7, lr;
	s5 =	simm.s32 $0xFFFFFFFF;
	p2 =	slt.u32 s8, $0xFFFFF086  }
0x1c: {  	p1 =	slt.u32 s9, $0xF7A;
	s5 =	simm.s32 @!p2 $0x0  }
0x1d: {  	s5 =	simm.s32 @p1 $0x1;
	p0 =	seq.s32 s7, s2  }
0x1e: {  	s7 =	smul.u32 @!p0 $0xF7A, s2;
	p2 =	seq.s32 @!p0 s5, $0x0  }
0x1f: {  	s9 =	smul.u32 $0xF7A, s1;
	s8 =	simm.s32 @!p0 $0x1BF5;
	p2 =	por !p2, p0  }
0x20: {  	[sflag:s8] =	ssyncset.s32 @!p0 $0xFFFFF086;
	s6 =	sadd.s32 @!p0 s3, s7;
	s7 =	simm.s32 @!p0 $0x108  }
0x21: {  	s3 =	sadd.s32 s3, s9;
	s6 =	sadd.s32 @!p0 $0x88, s6;
	s7 =	simm.s32 @p2 $0x1082  }
0x22: {  	[simem:s7], [sflag:s8] =	dma.local @!p0 [hbm:s6], $0xF7A  }
0x23: {  	s9 =	sor.u32 $0xD0000000, s2;
	s6 =	simm.s32 $0x108;
	_ =	swait.ge @!p0 [sflag:s8], $0x0  }
0x24: {  	s3 =	sadd.s32 $0x88, s3;
	s6 =	simm.s32 @!p1 $0x1082;
	[sflag:s4] =	ssyncset.s32 $0xFFFFF086  }
0x25: {  	[simem:s6], [sflag:s4] =	dma.local [hbm:s3], $0xF7A  }
0x26: {  	[smem:$0x3F93] =	sst s1;
	(tag) =	ssettag s2;
	_ =	strace s9  }
0x27: {  	s1 =	sld [smem:$0x3FA3]  }
0x28: {  	s2 =	sld [smem:$0x3FA4]  }
0x29: {  	s4 =	sld [smem:$0x3FA6]  }
0x2a: {  	p0 =	seq.s32 s5, $0x0;
	s5 =	sld [smem:$0x3FA7]  }
0x2b: {  	s6 =	sld [smem:$0x3FA8]  }
0x2c: {  	s7 =	sld [smem:$0x3FA9]  }
0x2d: {  	s3 =	simm.s32 $0x108;
	s8 =	sld [smem:$0x3FAA]  }
0x2e: {  	s3 =	simm.s32 @!p0 $0x1082;
	s9 =	sld [smem:$0x3FAB]  }
0x2f: {  	lr =	sadd.s32 s0, s3;
	s0 =	sld [smem:$0x3FA2]  }
0x30: {  	s3 =	sld [smem:$0x3FA5]  }
0x31: {  	[smem:$0x3FAE] =	sst s10  }
0x32: {  	s10 =	sld [smem:$0x3FAC];
	_ =	sdelay $0x3  }
0x33: {  	p0 =	seq.s32 s10, $0x1;
	s10 =	sld [smem:$0x3FAE];
	_ =	sdelay $0x3  }
0x34: {  	[smem:$0x3FAE] =	sst s10  }
0x35: {  	s10 =	sld [smem:$0x3FAD];
	_ =	sdelay $0x3  }
0x36: {  	p1 =	seq.s32 s10, $0x1;
	s10 =	sld [smem:$0x3FAE];
	_ =	sdelay $0x3  }
0x37: {  	[smem:$0x3FAE] =	sst s10  }
0x38: {  	s10 =	sld [smem:$0x3FAF]  }
0x39: {  	_ = 	snop;
	(pc) =	sbr.ind lr, $3  }
0x3a: {  	_ = 	snop  }
0x3b: {  	_ = 	snop  }
0x3c: {  	p2 =	seq.s32 s10, $0x1;
	s10 =	sld [smem:$0x3FAE]  }
0x3d: {  	_ =	shalt  }
0x3e: {  	_ =	shalt  }
0x3f: {  	_ =	shalt  }
0x40: {  	_ =	shalt  }
0x41: {  	_ =	shalt  }
0x42: {  	_ =	shalt  }
0x43: {  	_ =	shalt  }
0x44: {  	_ =	shalt  }
0x45: {  	_ =	shalt  }
0x46: {  	_ =	shalt  }
0x47: {  	_ =	shalt  }
0x48: {  	_ =	shalt  }
0x49: {  	_ =	shalt  }
0x4a: {  	_ =	shalt  }
0x4b: {  	_ =	shalt  }
0x4c: {  	_ =	shalt  }
0x4d: {  	_ =	shalt  }
0x4e: {  	_ =	shalt  }
0x4f: {  	_ =	shalt  }
0x50: {  	_ =	shalt  }
0x51: {  	_ =	shalt  }
0x52: {  	_ =	shalt  }
0x53: {  	_ =	shalt  }
0x54: {  	_ =	shalt  }
0x55: {  	_ =	shalt  }
0x56: {  	_ =	shalt  }
0x57: {  	_ =	shalt  }
0x58: {  	_ =	shalt  }
0x59: {  	_ =	shalt  }
0x5a: {  	_ =	shalt  }
0x5b: {  	_ =	shalt  }
0x5c: {  	_ =	shalt  }
0x5d: {  	_ =	shalt  }
0x5e: {  	_ =	shalt  }
0x5f: {  	_ =	shalt  }
0x60: {  	_ =	shalt  }
0x61: {  	_ =	shalt  }
0x62: {  	_ =	shalt  }
0x63: {  	_ =	shalt  }
0x64: {  	_ =	shalt  }
0x65: {  	_ =	shalt  }
0x66: {  	_ =	shalt  }
0x67: {  	_ =	shalt  }
0x68: {  	_ =	shalt  }
0x69: {  	_ =	shalt  }
0x6a: {  	_ =	shalt  }
0x6b: {  	_ =	shalt  }
0x6c: {  	_ =	shalt  }
0x6d: {  	_ =	shalt  }
0x6e: {  	_ =	shalt  }
0x6f: {  	_ =	shalt  }
0x70: {  	_ =	shalt  }
0x71: {  	_ =	shalt  }
0x72: {  	_ =	shalt  }
0x73: {  	_ =	shalt  }
0x74: {  	_ =	shalt  }
0x75: {  	_ =	shalt  }
0x76: {  	_ =	shalt  }
0x77: {  	_ =	shalt  }
0x78: {  	_ =	shalt  }
0x79: {  	_ =	shalt  }
0x7a: {  	_ =	shalt  }
0x7b: {  	_ =	shalt  }
0x7c: {  	_ =	shalt  }
0x7d: {  	_ =	shalt  }
0x7e: {  	_ =	shalt  }
0x7f: {  	_ =	shalt  }
0x80: {  	_ =	shalt  }
0x81: {  	_ =	shalt  }
0x82: {  	_ =	shalt  }
0x83: {  	_ =	shalt  }
0x84: {  	_ =	shalt  }
0x85: {  	_ =	shalt  }
0x86: {  	_ =	shalt  }
0x87: {  	_ =	shalt  }
.Lfunc_end0:
.L_simem_size_0:
called_computation_lowered:
.L_overlay_start_0:
0x88: {  	s2 =	sld [smem:$0x3FD9]  }
0x89: {  	s3 =	sld [smem:$0x3FFE];
	_ =	sdelay $0x1  }
0x8a: {  	s1 =	srdreg.scid  }
0x8b: {  	s0 =	sand.u32 $0x1, s1  }
0x8c: {  	s17 =	sshll.u32 s0, $0xA;
	s2 =	sadd.s32 s3, s2  }
0x8d: {  	s2 =	sadd.s32 s2, s17  }
0x8e: {  	[smem:$0x3FBA] =	sst s2  }
0x8f: {  	_ = 	snop  }
0x90: {  	s2 =	sld [smem:$0x3FC9]  }
0x91: {  	s18 =	sld [smem:$0x3FD0];
	(tm) =	ssettm $0x1  }
0x92: {  	s4 =	sld [smem:$0x3FFB];
	_ =	sdelay $0x3  }
0x93: {  	_ =	strace s4  }
0x94: {  	s4 =	sld [smem:$0x3FFC];
	_ =	sdelay $0x3  }
0x95: {  	_ =	strace s4  }
0x96: {  	s4 =	sld [smem:$0x3FFD];
	_ =	sdelay $0x3  }
0x97: {  	_ =	strace s4  }
0x98: {  	_ =	strace $0x8FFFFFFF  }
0x99: {  	s19 =	sld [smem:$0x3FDB];
	_ =	sdelay $0x1  }
0x9a: {  	s5 =	simm.s32 $_scs_section_size  }
0x9b: {  	s6 =	simm.s32 $_size__tile_overlayer_lowered;
	s7 =	simm.s32 $_tile_overlayer_lowered  }
0x9c: {  	s22 =	simm.s32 $0x1BFF;
	s21 =	sshll.u32 s7, $0x1;
	s4 =	sadd.s32 s5, s19  }
0x9d: {  	s8 =	simm.s32 $0x0;
	s20 =	sshll.u32 s6, $0x1;
	s6 =	sadd.s32 s21, s4  }
0x9e: {  	[timem:s8], [sflag:s22] =	dma.local [hbm:s6], s20  }
0x9f: {  	_ =	swait.ge [sflag:s22], s20  }
0xa0: {  	s5 =	ssub.s32 $0x0, s20;
	[sflag:s22] =	ssyncset.done $0x0  }
0xa1: {  	[sflag:s22] =	ssyncadd.s32 s5;
	_ =	sdelay $0x1  }
0xa2: {  	s23 =	simm.s32 $0x1B8B  }
0xa3: {  	_ =	swait.ge [sflag:s23], $0x1  }
0xa4: {  	[sflag:s23] =	ssyncset.done $0x0  }
0xa5: {  	s25 =	simm.s32 $0x1B8E;
	s24 =	sld [smem:$0x3FFE];
	[sflag:s23] =	ssyncadd.s32 $0xFFFFFFFF  }
0xa6: {  	s26 =	simm.s32 $execute0_lowered;
	[smem:$0x3FD2] =	sst s25  }
0xa7: {  	s6 =	sshll.u32 s26, $0x1;
	_ =	strace $0x80000046;
	[dreg:$0x1] =	wrdreg $0xFFFFFFFF  }
0xa8: {  	s28 =	simm.s32 $_size_execute0_lowered;
	s4 =	sadd.s32 s4, s6;
	[dreg:$0x0] =	wrdreg $0x0  }
0xa9: {  	s6 =	sshll.u32 s28, $0x1;
	[dreg:$0x2] =	wrdreg s4  }
0xaa: {  	[dreg:$0x3] =	wrdreg s6  }
0xab: {  	[dreg:$0x4] =	wrdreg $0xC0  }
0xac: {  	_ =	task [dreg:s8], $0x5FFFF  }
0xad: {  	[dreg:$0x1] =	wrdreg $0xFFFFFFFF  }
0xae: {  	[dreg:$0x0] =	wrdreg $0x60  }
0xaf: {  	[dreg:$0x2] =	wrdreg s2  }
0xb0: {  	[dreg:$0x3] =	wrdreg s24  }
0xb1: {  	[dreg:$0x4] =	wrdreg s18  }
0xb2: {  	[dreg:$0x5] =	wrdreg $0x18000  }
0xb3: {  	[dreg:$0x6] =	wrdreg $0x91000  }
0xb4: {  	[dreg:$0x7] =	wrdreg $0x9  }
0xb5: {  	_ =	task.clear_ibuf [dreg:s8], $0x8FFFF;
	_ =	strace $0x90000046  }
0xb6: {  	s29 =	simm.s32 $0x9;
	_ =	strace $0x80000048  }
0xb7: {  	_ =	swait.ge [sflag:s29], $0x1  }
0xb8: {  	[sflag:s29] =	ssyncadd.s32 $0xFFFFFFFF  }
0xb9: {  	_ =	strace $0x90000048  }
0xba: {  	_ =	sfence  }
0xbb: {  	s30 =	sld [smem:$0x0];
	_ =	sdelay $0x2  }
0xbc: {  	s31 =	sshll.u32 s1, $0xD;
	s1 =	sshrl.u32 s1, $0x2  }
0xbd: {  	s3 =	sand.u32 $0x4000, s31;
	s1 =	sadd.s32 s1, s30  }
0xbe: {  	s0 =	sor.u32 s3, s0;
	s1 =	sshll.u32 s1, $0x11  }
0xbf: {  	s0 =	sor.u32 s1, s0  }
0xc0: {  	s0 =	sadd.s32 $0x8F2B, s0  }
0xc1: {  	[sflag:s0] =	ssyncadd.remote.s32 $0x1  }
0xc2: {  	_ =	sfence.sel $0xFFFF  }
0xc3: {  	[dreg:$0x0] =	wrdreg $0xFFFFFFFF;
	(pc) =	sbr.abs _section_cstart, $3  }
0xc4: {  	[dreg:$0x1] =	wrdreg $0xFFFFFFFF  }
0xc5: {  	_ =	task.clear_ibuf [dreg:s8], $0x2FFFF;
	_ =	strace $0x9FFFFFFF  }
0xc6: {  	(tm) =	ssettm $0x7FFFFFFF  }
0xc7: {  	_ =	shalt  }
tec
execute0_lowered:
.L_overlay_start_1:
0x0: {  	(tag) =	ssettag $0x1  }
0x1: {  	s1 =	rddreg [dreg:$0x0]  }
0x2: {  	s0 =	rddreg [dreg:$0x1]  }
0x3: {  	s2 =	rddreg [dreg:$0x2]  }
0x4: {  	s3 =	rddreg [dreg:$0x3]  }
0x5: {  	s4 =	rddreg [dreg:$0x4]  }
0x6: {  	s5 =	simm.s32 $0x0;
	s20 =	srdreg.scid;
	s19 =	stileid.u32  }
0x7: {  	[smem:$0x7FF] =	sst s5;
	s6 =	sadd.s32 $0x33A00, s0;
	s7 =	sadd.s32 $0x1A00, s0  }
0x8: {  	s8 =	sadd.s32 $0x1AA00, s0;
	s0 =	sadd.s32 $0x33C00, s0;
	s10 =	smul.u32 $0x50000, s19  }
0x9: {  	_ =	strace $0x80000047;
	[dreg:$0x6] =	wrdreg s6;
	s6 =	sand.u32 $0x1, s20  }
0xa: {  	s13 =	smul.u32 $0x14000, s19;
	p0 =	sne.s32 s19, $0x0;
	s9 =	ssub.s32 $0x2, s6  }
0xb: {  	s12 =	sshll.u32 s6, $0x4;
	s6 =	smul.u32 $0x140000, s6;
	s10 =	sshrl.u32 s10, $0x2  }
0xc: {  	s14 =	sadd.s32 $0x4000, s13;
	s24 =	sadd.s32 $0x8000, s13;
	s25 =	sadd.s32 $0xC000, s13  }
0xd: {  	s11 =	sshrl.u32 s9, $0x1;
	s12 =	sor.u32 s19, s12;
	s10 =	sadd.s32 s10, s4  }
0xe: {  	s9 =	ssub.s32 s9, s11;
	s11 =	smul.u32 $0x6400, s12;
	s21 =	sadd.s32 $0x2800, s10  }
0xf: {  	s22 =	sadd.s32 s13, s6;
	s16 =	sadd.s32 s6, s14;
	s26 =	sadd.s32 s6, s24  }
0x10: {  	s18 =	sadd.s32 s6, s25;
	s13 =	sadd.s32 $0x10000, s13;
	s24 =	sadd.s32 s24, s4  }
0x11: {  	s25 =	sadd.s32 s25, s4;
	s28 =	sadd.s32 $0x7800, s10;
	s29 =	sadd.s32 $0xA000, s10  }
0x12: {  	s30 =	sadd.s32 $0xC800, s10;
	s31 =	sadd.s32 $0xF000, s10;
	[dreg:$0x7] =	wrdreg s21  }
0x13: {  	s12 =	sshrl.u32 s22, $0x3;
	s23 =	sshrl.u32 s16, $0x3;
	s18 =	sshrl.u32 s18, $0x3  }
0x14: {  	s6 =	sadd.s32 s6, s13;
	s13 =	sadd.s32 s13, s4;
	s9 =	smax.u32 s9, $0x1  }
0x15: {  	s15 =	sshrl.u32 s11, $0x3;
	s12 =	sadd.s32 s0, s12;
	[dreg:$0x10] =	wrdreg s9  }
0x16: {  	s20 =	sadd.s32 s0, s18;
	s6 =	sshrl.u32 s6, $0x3;
	[dreg:$0x9] =	wrdreg s12  }
0x17: {  	s9 =	simm.s32 $0x1900;
	s17 =	sadd.s32 s2, s15;
	[dreg:$0xc] =	wrdreg s20  }
0x18: {  	s12 =	sadd.s32 s0, s23;
	s21 =	sadd.s32 s7, s15;
	[dreg:$0x8] =	wrdreg s17  }
0x19: {  	s22 =	sadd.s32 s8, s15;
	s23 =	sadd.s32 s14, s4;
	[dreg:$0xa] =	wrdreg s12  }
0x1a: {  	s14 =	simm.s32 $0x1;
	s15 =	simm.s32 $0x0;
	[dreg:$0xe] =	wrdreg s21  }
0x1b: {  	s17 =	sshrl.u32 s26, $0x3;
	[dreg:$0xf] =	wrdreg s22;
	s26 =	sshrl.u32 s24, $0x3  }
.Ltmp0:
0x1c: {  	s24 =	sshrl.u32 s25, $0x3;
	s25 =	sshrl.u32 s13, $0x3;
	(pc) =	sbr.rel .LBB2_1-.Ltmp0, $4  }
0x1d: {  	s12 =	simm.s32 $0x4;
	s17 =	sadd.s32 s0, s17;
	[dreg:$0x12] =	wrdreg s26  }
0x1e: {  	s13 =	simm.s32 $0x50;
	s0 =	sadd.s32 s0, s6;
	[dreg:$0xb] =	wrdreg s17  }
0x1f: {  	s26 =	sadd.s32 $0x5000, s10;
	[dreg:$0xd] =	wrdreg s0;
	s0 =	sshrl.u32 s23, $0x3  }
0x20: {  	v0 =	vimm.f32 $0.0e+00;
	s6 =	simm.s32 $0x3;
	[dreg:$0x11] =	wrdreg s0;
	s0 =	sadd.s32 $0x11800, s10  }
.LBB2_14:
0x21: {  	s16 =	stileid.u32  }
0x22: {  	[bflag:$0x0] =	sbarrier.arrive $0xFFFF;
	s16 =	sshll.u32 s16, $0x6  }
0x23: {  	s17 =	sshrl.u32 s10, $0x3;
	s18 =	rddreg [dreg:$0x9];
	s16 =	sor.u32 $0x1C01, s16  }
0x24: {  	[hbm:s18], [sflag:s16] =	dma.local [spmem:s17], $0x800  }
0x25: {  	s17 =	rddreg [dreg:$0xa]  }
0x26: {  	s18 =	rddreg [dreg:$0x11]  }
0x27: {  	[hbm:s17], [sflag:s16] =	dma.local [spmem:s18], $0x800  }
0x28: {  	s17 =	rddreg [dreg:$0xb]  }
0x29: {  	s18 =	rddreg [dreg:$0x12]  }
0x2a: {  	[hbm:s17], [sflag:s16] =	dma.local [spmem:s18], $0x800  }
0x2b: {  	s17 =	rddreg [dreg:$0xc]  }
0x2c: {  	[hbm:s17], [sflag:s16] =	dma.local [spmem:s24], $0x800  }
0x2d: {  	s17 =	rddreg [dreg:$0xd]  }
0x2e: {  	[hbm:s17], [sflag:s16] =	dma.local [spmem:s25], $0x800  }
0x2f: {  	_ =	swait.ge [sflag:s14], $0x800  }
0x30: {  	[sflag:s14] =	ssyncset.done $0x0  }
0x31: {  	[sflag:s14] =	ssyncadd.s32 $0xFFFFF800  }
0x32: {  	_ =	swait.ge [sflag:s14], $0x800  }
0x33: {  	[sflag:s14] =	ssyncset.done $0x0  }
0x34: {  	[sflag:s14] =	ssyncadd.s32 $0xFFFFF800  }
0x35: {  	_ =	swait.ge [sflag:s14], $0x800  }
0x36: {  	[sflag:s14] =	ssyncset.done $0x0  }
0x37: {  	[sflag:s14] =	ssyncadd.s32 $0xFFFFF800  }
0x38: {  	_ =	swait.ge [sflag:s14], $0x800  }
0x39: {  	[sflag:s14] =	ssyncset.done $0x0  }
0x3a: {  	[sflag:s14] =	ssyncadd.s32 $0xFFFFF800  }
0x3b: {  	_ =	swait.ge [sflag:s14], $0x800  }
0x3c: {  	s15 =	sadd.s32 $0x1, s15;
	s23 =	rddreg [dreg:$0x10]  }
0x3d: {  	p1 =	sne.s32 s15, s23  }
.Ltmp1:
0x3e: {  	_ = 	snop;
	(pc) =	sbr.rel @!p1 .LBB2_15-.Ltmp1, $3  }
0x3f: {  	_ =	sdelay $0x1  }
0x40: {  	[sflag:s14] =	ssyncset.done $0x0  }
0x41: {  	[sflag:s14] =	ssyncadd.s32 $0xFFFFF800  }
.LBB2_1:
0x42: {  	s16 =	sshrl.u32 @!p0 s3, $0x3;
	s17 =	simm.s32 @!p0 $0x1C05;
	s18 =	rddreg [dreg:$0x6]  }
0x43: {  	[spmem:s16], [sflag:s17] =	dma.local @!p0 [hbm:s18], $0x200  }
0x44: {  	s16 =	simm.s32 @!p0 $0x5  }
0x45: {  	_ =	swait.ge @!p0 [sflag:s16], $0x200  }
0x46: {  	[sflag:s16] =	ssyncset.done @!p0 $0x0  }
0x47: {  	s17 =	simm.s32 $0x200;
	[sflag:s16] =	ssyncadd.s32 @!p0 $0xFFFFFE00;
	s16 =	simm.s32 $0x0  }
.LBB2_2:
0x48: {  	p1 =	sne.s32 s17, $0x9E00;
	[tilespmem:s16+$0x1970] =	vst v0  }
0x49: {  	[tilespmem:s16+$0x1900] =	vst v0  }
0x4a: {  	[tilespmem:s16+$0x1910] =	vst v0  }
.Ltmp2:
0x4b: {  	[tilespmem:s16+$0x1920] =	vst v0;
	(pc) =	sbr.rel @p1 .LBB2_2-.Ltmp2, $4  }
0x4c: {  	[tilespmem:s16+$0x1930] =	vst v0  }
0x4d: {  	[tilespmem:s16+$0x1940] =	vst v0  }
0x4e: {  	[tilespmem:s16+$0x1950] =	vst v0  }
0x4f: {  	[tilespmem:s16+$0x1960] =	vst v0;
	s16 =	sshra.s32 s17, $0x2;
	s17 =	sadd.s32 $0x200, s17  }
0x50: {  	[tilespmem:s16+$0x1970] =	vst v0  }
0x51: {  	[tilespmem:s16+$0x1900] =	vst v0  }
0x52: {  	[tilespmem:s16+$0x1910] =	vst v0  }
0x53: {  	[tilespmem:s16+$0x1920] =	vst v0  }
0x54: {  	[tilespmem:s16+$0x1930] =	vst v0  }
0x55: {  	[tilespmem:s16+$0x1940] =	vst v0  }
0x56: {  	[tilespmem:s16+$0x1950] =	vst v0  }
0x57: {  	[tilespmem:s16+$0x1960] =	vst v0  }
0x58: {  	[spmem:s10] =	stream.linear.scatter [tilespmem:s9], [sflag:$0x3], $0x2800, $0x38;
	[tilespmem:$0x1D100] =	vst v63  }
0x59: {  	s19 =	rddreg [dreg:$0x7]  }
0x5a: {  	[spmem:s19] =	stream.linear.scatter [tilespmem:s9], [sflag:$0x3], $0x2800, $0x38;
	[tilespmem:$0x1D100] =	vst v63  }
0x5b: {  	_ = 	snop  }
0x5c: {  	[spmem:s26] =	stream.linear.scatter [tilespmem:s9], [sflag:$0x3], $0x2800, $0x38;
	[tilespmem:$0x1D100] =	vst v63  }
0x5d: {  	_ = 	snop  }
0x5e: {  	[spmem:s28] =	stream.linear.scatter [tilespmem:s9], [sflag:$0x3], $0x2800, $0x38;
	[tilespmem:$0x1D100] =	vst v63  }
0x5f: {  	_ = 	snop  }
0x60: {  	[spmem:s29] =	stream.linear.scatter [tilespmem:s9], [sflag:$0x3], $0x2800, $0x38;
	[tilespmem:$0x1D100] =	vst v63  }
0x61: {  	_ = 	snop  }
0x62: {  	[spmem:s30] =	stream.linear.scatter [tilespmem:s9], [sflag:$0x3], $0x2800, $0x38;
	[tilespmem:$0x1D100] =	vst v63  }
0x63: {  	_ = 	snop  }
0x64: {  	[spmem:s31] =	stream.linear.scatter [tilespmem:s9], [sflag:$0x3], $0x2800, $0x38;
	[tilespmem:$0x1D100] =	vst v63  }
0x65: {  	_ = 	snop  }
0x66: {  	[spmem:s0] =	stream.linear.scatter [tilespmem:s9], [sflag:$0x3], $0x2800, $0x38;
	[tilespmem:$0x1D100] =	vst v63  }
0x67: {  	_ =	swait.ge [sflag:s6], $0x2800  }
0x68: {  	[sflag:s6] =	ssyncset.done $0x0  }
0x69: {  	[sflag:s6] =	ssyncadd.s32 $0xFFFFD800  }
0x6a: {  	_ =	swait.ge [sflag:s6], $0x2800  }
0x6b: {  	[sflag:s6] =	ssyncset.done $0x0  }
0x6c: {  	[sflag:s6] =	ssyncadd.s32 $0xFFFFD800  }
0x6d: {  	_ =	swait.ge [sflag:s6], $0x2800  }
0x6e: {  	[sflag:s6] =	ssyncset.done $0x0  }
0x6f: {  	[sflag:s6] =	ssyncadd.s32 $0xFFFFD800  }
0x70: {  	_ =	swait.ge [sflag:s6], $0x2800  }
0x71: {  	[sflag:s6] =	ssyncset.done $0x0  }
0x72: {  	[sflag:s6] =	ssyncadd.s32 $0xFFFFD800  }
0x73: {  	_ =	swait.ge [sflag:s6], $0x2800  }
0x74: {  	[sflag:s6] =	ssyncset.done $0x0  }
0x75: {  	[sflag:s6] =	ssyncadd.s32 $0xFFFFD800  }
0x76: {  	_ =	swait.ge [sflag:s6], $0x2800  }
0x77: {  	[sflag:s6] =	ssyncset.done $0x0  }
0x78: {  	[sflag:s6] =	ssyncadd.s32 $0xFFFFD800  }
0x79: {  	_ =	swait.ge [sflag:s6], $0x2800  }
0x7a: {  	[sflag:s6] =	ssyncset.done $0x0  }
0x7b: {  	[sflag:s6] =	ssyncadd.s32 $0xFFFFD800  }
0x7c: {  	_ =	swait.ge [sflag:s6], $0x2800  }
0x7d: {  	[sflag:s6] =	ssyncset.done $0x0  }
0x7e: {  	[sflag:s6] =	ssyncadd.s32 $0xFFFFD800  }
0x7f: {  	[bflag:$0x0] =	sbarrier.arrive $0xFFFF  }
0x80: {  	s20 =	rddreg [dreg:$0x8]  }
0x81: {  	[tilespmem:s5], [sflag:$0x4] =	stream.linear.gather [hbm4b:s20+s5], $0x280, $0x38;
	[tilespmem:$0x1D100] =	vst v63  }
0x82: {  	s17 =	simm.s32 $0x800;
	s21 =	rddreg [dreg:$0xe]  }
0x83: {  	[tilespmem:s17], [sflag:$0x4] =	stream.linear.gather [hbm4b:s21+s5], $0x280, $0x38;
	[tilespmem:$0x1D100] =	vst v63  }
0x84: {  	s23 =	simm.s32 $0x1000;
	s22 =	rddreg [dreg:$0xf]  }
0x85: {  	[tilespmem:s23], [sflag:$0x4] =	stream.linear.gather [hbm4b:s22+s5], $0x280, $0x38;
	[tilespmem:$0x1D100] =	vst v63  }
0x86: {  	_ =	swait.ge [sflag:s12], $0x280  }
0x87: {  	[sflag:s12] =	ssyncset.done $0x0  }
0x88: {  	[sflag:s12] =	ssyncadd.s32 $0xFFFFFD80  }
0x89: {  	_ =	swait.ge [sflag:s12], $0x280  }
0x8a: {  	[sflag:s12] =	ssyncset.done $0x0  }
.Ltmp3:
0x8b: {  	[sflag:s12] =	ssyncadd.s32 $0xFFFFFD80;
	(pc) =	sbr.rel .LBB2_4-.Ltmp3, $4  }
0x8c: {  	_ =	swait.ge [sflag:s12], $0x280  }
0x8d: {  	[sflag:s12] =	ssyncset.done $0x0  }
0x8e: {  	s16 =	simm.s32 $0xFFFFFFFB;
	[sflag:s12] =	ssyncadd.s32 $0xFFFFFD80  }
0x8f: {  	[tilespmem:s9], [sflag:$0x1] =	stream.indirect.gather [hbm4b:s1+s13], $0x80, s5, s13, $0xb8;
	[tilespmem:$0x1D100] =	vst v63  }
.LBB2_12:
0x90: {  	s20 =	smul.u32 $0xAB, s17;
	_ =	sdelay $0x1  }
0x91: {  	s20 =	sshrl.u32 s20, $0x9  }
0x92: {  	s20 =	sand.u32 $0x7F, s20  }
0x93: {  	s20 =	smul.u32 $0x3, s20;
	_ =	sdelay $0x1  }
0x94: {  	s20 =	ssub.s32 s17, s20  }
0x95: {  	s20 =	sand.u32 $0xFF, s20  }
0x96: {  	s18 =	sand.u32 $0xFF, s18;
	s20 =	smul.u32 $0xA000, s20  }
0x97: {  	_ =	swait.ge [sflag:s14], $0x2800;
	s19 =	sand.u32 $0x400, s19;
	s18 =	sshll.u32 s18, $0x7  }
0x98: {  	[sflag:s14] =	ssyncset.done $0x0;
	s18 =	sadd.s32 s18, s19;
	s20 =	sshrl.u32 s20, $0x2  }
0x99: {  	[sflag:s14] =	ssyncadd.s32 $0xFFFFD800;
	s18 =	sadd.s32 $0x1000, s18;
	s23 =	sadd.s32 $0x1900, s20  }
0x9a: {  	[tilespmem:s23], [sflag:$0x2] =	stream.indirect.gather.add.f32 [spmem:s3], $0x80, s18, s13, $0xb8;
	[tilespmem:$0x1D100] =	vst v63  }
.LBB2_13:
0x9b: {  	p1 =	seq.s32 s17, $0x0  }
0x9c: {  	p2 =	seq.s32 @!p1 s17, $0x7E  }
0x9d: {  	p1 =	por p2, p1  }
0x9e: {  	s17 =	sadd.s32 @!p1 $0xFFFFFFFF, s17  }
0x9f: {  	s18 =	sand.u32 @!p1 $0xFF, s17  }
0xa0: {  	s19 =	smul.u32 @!p1 $0xAB, s18  }
0xa1: {  	s18 =	smul.u32 @!p1 $0xCD, s18  }
0xa2: {  	s19 =	sshrl.u32 @!p1 s19, $0x9  }
0xa3: {  	s20 =	sshrl.u32 @!p1 s18, $0xA;
	s19 =	smul.u32 @!p1 $0x3, s19  }
0xa4: {  	s20 =	smul.u32 @!p1 $0x5, s20  }
0xa5: {  	s16 =	sadd.s32 $0x1, s16;
	s19 =	ssub.s32 @!p1 s17, s19  }
0xa6: {  	s17 =	ssub.s32 @!p1 s17, s20;
	s20 =	simm.s32 @!p1 $0x2;
	s19 =	sand.u32 @!p1 $0xFF, s19  }
0xa7: {  	_ =	swait.ge @!p1 [sflag:s20], $0x2800;
	s17 =	sand.u32 @!p1 $0xEF, s17;
	s19 =	smul.u32 @!p1 $0xA000, s19  }
0xa8: {  	s18 =	sand.u32 @!p1 $0x400, s18;
	[sflag:s20] =	ssyncset.done @!p1 $0x0;
	s17 =	sshll.u32 @!p1 s17, $0x7  }
0xa9: {  	[sflag:s20] =	ssyncadd.s32 @!p1 $0xFFFFD800;
	s17 =	sor.u32 @!p1 s17, s18;
	s19 =	sshrl.u32 @!p1 s19, $0x2  }
0xaa: {  	s17 =	sor.u32 @!p1 $0x800, s17;
	s18 =	sadd.s32 @!p1 $0x1900, s19;
	s19 =	simm.s32 @!p1 $0x50  }
0xab: {  	[spmem:s4] =	stream.indirect.scatter.add.f32 @!p1 [tilespmem:s18], [sflag:$0x3], $0x80, s17, s19, $0xb8;
	[tilespmem:$0x1D100] =	vst v63  }
0xac: {  	p1 =	sne.s32 s16, $0x7A  }
.Ltmp4:
0xad: {  	_ = 	snop;
	(pc) =	sbr.rel @!p1 .LBB2_14-.Ltmp4, $1  }
0xae: {  	_ =	sdelay $0x3  }
.LBB2_4:
0xaf: {  	s17 =	sadd.s32 $0x5, s16  }
0xb0: {  	s18 =	smul.u32 $0xCD, s17;
	_ =	sdelay $0x1  }
0xb1: {  	s18 =	sshrl.u32 s18, $0xA  }
0xb2: {  	s19 =	sand.u32 $0x3F, s18  }
0xb3: {  	s18 =	smul.u32 $0x5, s19;
	_ =	sdelay $0x1  }
0xb4: {  	p1 =	sgt.u32 s17, $0x77;
	s18 =	ssub.s32 s17, s18  }
0xb5: {  	s20 =	sand.u32 @!p1 $0xFF, s18  }
0xb6: {  	p2 =	sne.s32 @!p1 s20, $0x2  }
0xb7: {  	p1 =	por p1, p2  }
.Ltmp5:
0xb8: {  	_ = 	snop;
	(pc) =	sbr.rel @p1 .LBB2_6-.Ltmp5, $2  }
0xb9: {  	_ =	sdelay $0x2  }
0xba: {  	s19 =	sshll.u32 s19, $0xA  }
0xbb: {  	s20 =	sadd.s32 $0x400, s19  }
0xbc: {  	s21 =	sadd.s32 s11, s20  }
0xbd: {  	s21 =	sshrl.u32 s21, $0x3  }
0xbe: {  	s20 =	sand.u32 $0x400, s20;
	s22 =	sadd.s32 s2, s21  }
0xbf: {  	[tilespmem:s20], [sflag:$0x4] =	stream.linear.gather [hbm4b:s22+s5], $0x280, $0x38;
	[tilespmem:$0x1D100] =	vst v63  }
.Ltmp6:
0xc0: {  	_ = 	snop;
	(pc) =	sbr.rel .LBB2_9-.Ltmp6, $4  }
0xc1: {  	s23 =	sadd.s32 s7, s21;
	s22 =	sor.u32 $0x800, s20  }
0xc2: {  	[tilespmem:s22], [sflag:$0x4] =	stream.linear.gather [hbm4b:s23+s5], $0x280, $0x38;
	[tilespmem:$0x1D100] =	vst v63  }
0xc3: {  	p1 =	por $0x1, $0x1;
	s21 =	sadd.s32 s8, s21;
	s20 =	sor.u32 $0x1000, s20  }
0xc4: {  	[tilespmem:s20], [sflag:$0x4] =	stream.linear.gather [hbm4b:s21+s5], $0x280, $0x38;
	[tilespmem:$0x1D100] =	vst v63  }
.LBB2_6:
0xc5: {  	p1 =	sgt.u32 s16, $0x77  }
0xc6: {  	s20 =	sand.u32 @!p1 $0xFF, s18  }
0xc7: {  	p2 =	sne.s32 @!p1 s20, $0x0  }
0xc8: {  	p2 =	por p1, p2  }
.Ltmp7:
0xc9: {  	_ = 	snop;
	(pc) =	sbr.rel @p2 .LBB2_8-.Ltmp7, $2  }
0xca: {  	_ =	sdelay $0x2  }
0xcb: {  	p1 =	slt.u32 s17, $0x7D  }
0xcc: {  	_ =	swait.ge [sflag:s12], $0x280  }
0xcd: {  	[sflag:s12] =	ssyncset.done $0x0  }
0xce: {  	[sflag:s12] =	ssyncadd.s32 $0xFFFFFD80  }
0xcf: {  	_ =	swait.ge [sflag:s12], $0x280  }
0xd0: {  	[sflag:s12] =	ssyncset.done $0x0  }
0xd1: {  	[sflag:s12] =	ssyncadd.s32 $0xFFFFFD80  }
0xd2: {  	_ =	swait.ge [sflag:s12], $0x280  }
0xd3: {  	[sflag:s12] =	ssyncset.done $0x0  }
0xd4: {  	[sflag:s12] =	ssyncadd.s32 $0xFFFFFD80  }
.LBB2_9:
0xd5: {  	p2 =	sgt.u32 s17, $0x7B  }
.Ltmp8:
0xd6: {  	_ = 	snop;
	(pc) =	sbr.rel @p2 .LBB2_11-.Ltmp8, $4  }
0xd7: {  	_ = 	snop  }
0xd8: {  	_ =	swait.ge [sflag:s6], $0x2800  }
0xd9: {  	[sflag:s6] =	ssyncset.done $0x0  }
0xda: {  	[sflag:s6] =	ssyncadd.s32 $0xFFFFD800  }
.LBB2_10:
0xdb: {  	s20 =	sadd.s32 $0x1, s17  }
0xdc: {  	s21 =	sand.u32 $0xFF, s20  }
0xdd: {  	s22 =	smul.u32 $0xAB, s21;
	_ =	sdelay $0x1  }
0xde: {  	s21 =	smul.u32 $0xCD, s21;
	s22 =	sshrl.u32 s22, $0x9  }
0xdf: {  	s22 =	smul.u32 $0x3, s22;
	_ =	sdelay $0x1  }
0xe0: {  	s23 =	sshrl.u32 s21, $0xA;
	s22 =	ssub.s32 s20, s22  }
0xe1: {  	s23 =	smul.u32 $0x5, s23;
	s22 =	sand.u32 $0xFF, s22  }
0xe2: {  	s22 =	smul.u32 $0xA000, s22  }
.Ltmp9:
0xe3: {  	s20 =	ssub.s32 s20, s23;
	(pc) =	sbr.rel @p1 .LBB2_12-.Ltmp9, $4  }
.Ltmp10:
0xe4: {  	s20 =	sand.u32 $0xFF, s20;
	(pc) =	sbr.rel @!p1 .LBB2_13-.Ltmp10, $4  }
0xe5: {  	s21 =	sand.u32 $0x400, s21;
	s20 =	sshll.u32 s20, $0x7;
	s22 =	sshrl.u32 s22, $0x2  }
0xe6: {  	s20 =	sor.u32 s20, s21;
	s22 =	sadd.s32 $0x1900, s22  }
0xe7: {  	[tilespmem:s22], [sflag:$0x1] =	stream.indirect.gather [hbm4b:s1+s13], $0x80, s20, s13, $0xb8;
	[tilespmem:$0x1D100] =	vst v63  }
0xe8: {  	_ = 	snop  }
.LBB2_11:
.Ltmp11:
0xe9: {  	(pc) =	sbr.rel @!p1 .LBB2_13-.Ltmp11, $4  }
.Ltmp12:
0xea: {  	(pc) =	sbr.rel @p1 .LBB2_12-.Ltmp12, $4  }
0xeb: {  	_ = 	snop  }
0xec: {  	_ = 	snop  }
0xed: {  	_ = 	snop  }
0xee: {  	_ = 	snop  }
.LBB2_8:
0xef: {  	p2 =	slt.u32 s17, $0x2  }
.Ltmp13:
0xf0: {  	_ = 	snop;
	(pc) =	sbr.rel @p2 .LBB2_10-.Ltmp13, $4  }
.Ltmp14:
0xf1: {  	_ = 	snop;
	(pc) =	sbr.rel @!p2 .LBB2_9-.Ltmp14, $4  }
0xf2: {  	_ = 	snop  }
0xf3: {  	_ = 	snop  }
0xf4: {  	_ = 	snop  }
0xf5: {  	_ = 	snop  }
.LBB2_15:
0xf6: {  	_ =	sfence.sel $0x180000  }
0xf7: {  	[bflag:$0x0] =	sbarrier.arrive $0xFFFF  }
0xf8: {  	_ =	strace $0x90000047  }
0xf9: {  	[bflag:$0x2] =	sbarrier.arrive $0xFFFF  }
0xfa: {  	s0 =	rddreg [dreg:$0x5]  }
0xfb: {  	s0 =	sadd.s32 @!p0 $0x100000, s0  }
0xfc: {  	[sflag:s0] =	ssyncadd.tile.s32 @!p0 $0x1;
	_ =	shalt  }
.Lfunc_end2:
_tile_overlayer_lowered:
.L_overlay_start_2:
0xfd: {  	(tag) =	ssettag $0x2  }
0xfe: {  	s0 =	rddreg [dreg:$0x0];
	s2 =	stileid.u32  }
0xff: {  	s1 =	rddreg [dreg:$0x1];
	p0 =	sne.s32 s2, $0x0  }
0x100: {  	s3 =	rddreg [dreg:$0x2];
	[bflag:$0x3] =	sbarrier.arrive $0xFFFF;
	s2 =	simm.s32 @!p0 $0x1C05  }
0x101: {  	[timem:s3], [sflag:s2] =	dma.local @!p0 [hbm:s0], s1  }
0x102: {  	s0 =	simm.s32 @!p0 $0x5  }
0x103: {  	_ =	swait.ge @!p0 [sflag:s0], s1  }
0x104: {  	s1 =	ssub.s32 @!p0 $0x0, s1;
	[sflag:s0] =	ssyncset.done @!p0 $0x0  }
0x105: {  	[sflag:s0] =	ssyncadd.s32 @!p0 s1  }
0x106: {  	[bflag:$0x3] =	sbarrier.arrive $0xFFFF  }
0x107: {  	_ =	shalt  }

</sc_bundles>
